<compile_context>
chip_gen: v7x
topology: tpu7x:2x2x1
jax: 0.10.2.dev20260603
libtpu: 0.0.44.dev20260713+nightly
codegen_flags: <defaults>
</compile_context>

<pallas_src>
import functools

import jax
import jax.numpy as jnp
from jax import lax
from jax.experimental import pallas as pl
from jax.experimental.pallas import tpu as pltpu
from jax.experimental.pallas import tpu_sc as plsc

B = 16384
D_OUT = 12
L = 16

_TABLE_SHAPES = ((7, 3), (12, 3), (3, 2), (24, 4))
_COL_OFFSETS = (0, 3, 6, 8)


def _make_kernel(ncores=None):
    info = plsc.get_sparse_core_info()
    if ncores is None:
        ncores = info.num_cores
    nw = ncores * info.num_subcores
    b_per_w = B // nw
    n_blocks = b_per_w // L

    mesh = plsc.VectorSubcoreMesh(core_axis_name="c", subcore_axis_name="s",
                                  num_cores=ncores)

    @functools.partial(
        pl.kernel,
        mesh=mesh,
        out_type=jax.ShapeDtypeStruct((B * D_OUT,), jnp.float32),
        compiler_params=pltpu.CompilerParams(needs_layout_passes=False),
        scratch_types=[
            pltpu.VMEM((_TABLE_SHAPES[0][0] * _TABLE_SHAPES[0][1],), jnp.float32),
            pltpu.VMEM((_TABLE_SHAPES[1][0] * _TABLE_SHAPES[1][1],), jnp.float32),
            pltpu.VMEM((_TABLE_SHAPES[2][0] * _TABLE_SHAPES[2][1],), jnp.float32),
            pltpu.VMEM((_TABLE_SHAPES[3][0] * _TABLE_SHAPES[3][1],), jnp.float32),
            pltpu.VMEM((b_per_w,), jnp.int32),
            pltpu.VMEM((b_per_w,), jnp.int32),
            pltpu.VMEM((b_per_w,), jnp.int32),
            pltpu.VMEM((b_per_w,), jnp.int32),
            pltpu.VMEM((b_per_w * D_OUT,), jnp.float32),
            pltpu.SemaphoreType.DMA,
            pltpu.SemaphoreType.DMA,
            pltpu.SemaphoreType.DMA,
        ],
    )
    def run(wd_hbm, mo_hbm, lk_hbm, st_hbm,
            ww_hbm, wm_hbm, wl_hbm, ws_hbm,
            out_hbm,
            ww_v, wm_v, wl_v, ws_v,
            wd_v, mo_v, lk_v, st_v,
            out_v, sem, sem_b, out_sem):
        wid = lax.axis_index("s") * ncores + lax.axis_index("c")
        base = wid * b_per_w
        half = b_per_w // 2

        idx_pairs = ((wd_hbm, wd_v), (mo_hbm, mo_v),
                     (lk_hbm, lk_v), (st_hbm, st_v))
        copies_a = [
            pltpu.async_copy(h.at[pl.ds(base, half)], v.at[pl.ds(0, half)],
                             sem)
            for h, v in idx_pairs
        ] + [
            pltpu.async_copy(ww_hbm, ww_v, sem),
            pltpu.async_copy(wm_hbm, wm_v, sem),
            pltpu.async_copy(wl_hbm, wl_v, sem),
            pltpu.async_copy(ws_hbm, ws_v, sem),
        ]
        copies_b = [
            pltpu.async_copy(h.at[pl.ds(base + half, half)],
                             v.at[pl.ds(half, half)], sem_b)
            for h, v in idx_pairs
        ]

        iota12 = lax.iota(jnp.int32, L) * D_OUT
        ones = [jnp.full((L,), c, jnp.int32) for c in range(D_OUT)]

        def block(i, carry):
            off = i * L
            rowbase = off * D_OUT + iota12
            idxs = (wd_v[pl.ds(off, L)], mo_v[pl.ds(off, L)],
                    lk_v[pl.ds(off, L)], st_v[pl.ds(off, L)])
            for tab, idx, (_, width), coff in zip(
                    (ww_v, wm_v, wl_v, ws_v), idxs, _TABLE_SHAPES, _COL_OFFSETS):
                scaled = idx * width
                for c in range(width):
                    val = plsc.load_gather(tab, [scaled + ones[c]])
                    plsc.store_scatter(out_v, [rowbase + ones[coff + c]], val)
            return carry

        blocks_per_q = n_blocks // 2
        q_elems = b_per_w * D_OUT // 2
        out_copies = []
        for q, staged in enumerate((copies_a, copies_b)):
            for c in staged:
                c.wait()
            lax.fori_loop(q * blocks_per_q, (q + 1) * blocks_per_q, block, 0)
            out_copies.append(pltpu.async_copy(
                out_v.at[pl.ds(q * q_elems, q_elems)],
                out_hbm.at[pl.ds(base * D_OUT + q * q_elems, q_elems)],
                out_sem))
        for c in out_copies:
            c.wait()

    return run


_sc_embed = _make_kernel()


def kernel(weekday, month, leak_type, start_time,
           W_weekday, W_month, W_leak_type, W_start_time):
    flat = _sc_embed(
        weekday.astype(jnp.int32), month.astype(jnp.int32),
        leak_type.astype(jnp.int32), start_time.astype(jnp.int32),
        W_weekday.reshape(-1), W_month.reshape(-1),
        W_leak_type.reshape(-1), W_start_time.reshape(-1))
    return flat.reshape(B, D_OUT)

# --- scband reference (transcript-rebuilt; emitter-appended) ---
"""Pipeline reference for scband-cond-embedding-89498528514087 (READ-ONLY COPY).

The authoritative reference and input builder live on the scoring server;
editing this copy changes nothing except your own understanding.
"""

import jax, jax.numpy as jnp
import numpy as np

B = 16384

def setup_inputs(seed: int = 0) -> dict:
    key = jax.random.key(seed)
    k1, k2, k3, k4, k5, k6, k7, k8 = jax.random.split(key, 8)
    return {
        "weekday": jax.random.randint(k1, (B,), 0, 7, dtype=jnp.int64 if jax.config.jax_enable_x64 else jnp.int32),
        "month": jax.random.randint(k2, (B,), 0, 12, dtype=jnp.int32),
        "leak_type": jax.random.randint(k3, (B,), 0, 3, dtype=jnp.int32),
        "start_time": jax.random.randint(k4, (B,), 0, 24, dtype=jnp.int32),
        "W_weekday": jax.random.normal(k5, (7, 3), dtype=jnp.float32),
        "W_month": jax.random.normal(k6, (12, 3), dtype=jnp.float32),
        "W_leak_type": jax.random.normal(k7, (3, 2), dtype=jnp.float32),
        "W_start_time": jax.random.normal(k8, (24, 4), dtype=jnp.float32),
    }

def reference(weekday, month, leak_type, start_time, W_weekday, W_month, W_leak_type, W_start_time):
    emb1 = jnp.take(W_weekday, weekday, axis=0)
    emb2 = jnp.take(W_month, month, axis=0)
    emb3 = jnp.take(W_leak_type, leak_type, axis=0)
    emb4 = jnp.take(W_start_time, start_time, axis=0)
    return jnp.concatenate([emb1, emb2, emb3, emb4], axis=1)

if __name__ == "__main__":
    import jax
    _d = setup_inputs()
    print(jax.jit(kernel)(*tuple(_d.values())))

</pallas_src>

<mosaic_0001>
#map = affine_map<(d0, d1) -> (0)>
module attributes {stable_mosaic.version = 14 : i64} {
  func.func @run(%arg0: i32, %arg1: i32, %arg2: memref<16384xi32, #tpu.memory_space<hbm>>, %arg3: memref<16384xi32, #tpu.memory_space<hbm>>, %arg4: memref<16384xi32, #tpu.memory_space<hbm>>, %arg5: memref<16384xi32, #tpu.memory_space<hbm>>, %arg6: memref<21xf32, #tpu.memory_space<hbm>>, %arg7: memref<36xf32, #tpu.memory_space<hbm>>, %arg8: memref<6xf32, #tpu.memory_space<hbm>>, %arg9: memref<96xf32, #tpu.memory_space<hbm>>, %arg10: memref<196608xf32, #tpu.memory_space<hbm>>, %arg11: memref<21xf32, #tpu.memory_space<vmem>>, %arg12: memref<36xf32, #tpu.memory_space<vmem>>, %arg13: memref<6xf32, #tpu.memory_space<vmem>>, %arg14: memref<96xf32, #tpu.memory_space<vmem>>, %arg15: memref<512xi32, #tpu.memory_space<vmem>>, %arg16: memref<512xi32, #tpu.memory_space<vmem>>, %arg17: memref<512xi32, #tpu.memory_space<vmem>>, %arg18: memref<512xi32, #tpu.memory_space<vmem>>, %arg19: memref<6144xf32, #tpu.memory_space<vmem>>, %arg20: memref<!tpu.dma_semaphore, #tpu.memory_space<semaphore_mem>>, %arg21: memref<!tpu.dma_semaphore, #tpu.memory_space<semaphore_mem>>, %arg22: memref<!tpu.dma_semaphore, #tpu.memory_space<semaphore_mem>>) attributes {dimension_semantics = [#tpu.dimension_semantics<core_parallel>, #tpu.dimension_semantics<subcore_parallel>], iteration_bounds = array<i64: 2, 16>, scalar_prefetch = 0 : i64, scratch_operands = 12 : i64, tpu.core_type = #tpu.core_type<sc_vector_subcore>, window_params = [{transform_indices = #map}, {transform_indices = #map}, {transform_indices = #map}, {transform_indices = #map}, {transform_indices = #map}, {transform_indices = #map}, {transform_indices = #map}, {transform_indices = #map}, {transform_indices = #map}]} {
    %mul3A = arith.constant 2 : i32
    %mul3A_0 = arith.muli %arg1, %mul3A : i32
    %add3A = arith.addi %mul3A_0, %arg0 : i32
    %mul3A_1 = arith.constant 512 : i32
    %mul3A_2 = arith.muli %add3A, %mul3A_1 : i32
    %dma_start3A = arith.constant 0 : i32
    %dma_start3A_3 = tpu.memref_slice %arg15[%dma_start3A] : memref<512xi32, #tpu.memory_space<vmem>> -> memref<256xi32, #tpu.memory_space<vmem>>
    %dma_start3A_4 = tpu.memref_slice %arg2[%mul3A_2] : memref<16384xi32, #tpu.memory_space<hbm>> -> memref<256xi32, #tpu.memory_space<hbm>>
    %dma_start3A_5 = arith.constant 0 : i32
    %dma_start3A_6 = tpu.memref_slice %arg15[%dma_start3A_5] : memref<512xi32, #tpu.memory_space<vmem>> -> memref<256xi32, #tpu.memory_space<vmem>>
    %dma_start3A_7 = tpu.memref_slice %arg2[%mul3A_2] : memref<16384xi32, #tpu.memory_space<hbm>> -> memref<256xi32, #tpu.memory_space<hbm>>
    tpu.enqueue_dma source(%dma_start3A_7 : memref<256xi32, #tpu.memory_space<hbm>>) target(%dma_start3A_6 : memref<256xi32, #tpu.memory_space<vmem>>) target_semaphore(%arg20 : memref<!tpu.dma_semaphore, #tpu.memory_space<semaphore_mem>>)
    %dma_start3A_8 = arith.constant 0 : i32
    %dma_start3A_9 = tpu.memref_slice %arg16[%dma_start3A_8] : memref<512xi32, #tpu.memory_space<vmem>> -> memref<256xi32, #tpu.memory_space<vmem>>
    %dma_start3A_10 = tpu.memref_slice %arg3[%mul3A_2] : memref<16384xi32, #tpu.memory_space<hbm>> -> memref<256xi32, #tpu.memory_space<hbm>>
    %dma_start3A_11 = arith.constant 0 : i32
    %dma_start3A_12 = tpu.memref_slice %arg16[%dma_start3A_11] : memref<512xi32, #tpu.memory_space<vmem>> -> memref<256xi32, #tpu.memory_space<vmem>>
    %dma_start3A_13 = tpu.memref_slice %arg3[%mul3A_2] : memref<16384xi32, #tpu.memory_space<hbm>> -> memref<256xi32, #tpu.memory_space<hbm>>
    tpu.enqueue_dma source(%dma_start3A_13 : memref<256xi32, #tpu.memory_space<hbm>>) target(%dma_start3A_12 : memref<256xi32, #tpu.memory_space<vmem>>) target_semaphore(%arg20 : memref<!tpu.dma_semaphore, #tpu.memory_space<semaphore_mem>>)
    %dma_start3A_14 = arith.constant 0 : i32
    %dma_start3A_15 = tpu.memref_slice %arg17[%dma_start3A_14] : memref<512xi32, #tpu.memory_space<vmem>> -> memref<256xi32, #tpu.memory_space<vmem>>
    %dma_start3A_16 = tpu.memref_slice %arg4[%mul3A_2] : memref<16384xi32, #tpu.memory_space<hbm>> -> memref<256xi32, #tpu.memory_space<hbm>>
    %dma_start3A_17 = arith.constant 0 : i32
    %dma_start3A_18 = tpu.memref_slice %arg17[%dma_start3A_17] : memref<512xi32, #tpu.memory_space<vmem>> -> memref<256xi32, #tpu.memory_space<vmem>>
    %dma_start3A_19 = tpu.memref_slice %arg4[%mul3A_2] : memref<16384xi32, #tpu.memory_space<hbm>> -> memref<256xi32, #tpu.memory_space<hbm>>
    tpu.enqueue_dma source(%dma_start3A_19 : memref<256xi32, #tpu.memory_space<hbm>>) target(%dma_start3A_18 : memref<256xi32, #tpu.memory_space<vmem>>) target_semaphore(%arg20 : memref<!tpu.dma_semaphore, #tpu.memory_space<semaphore_mem>>)
    %dma_start3A_20 = arith.constant 0 : i32
    %dma_start3A_21 = tpu.memref_slice %arg18[%dma_start3A_20] : memref<512xi32, #tpu.memory_space<vmem>> -> memref<256xi32, #tpu.memory_space<vmem>>
    %dma_start3A_22 = tpu.memref_slice %arg5[%mul3A_2] : memref<16384xi32, #tpu.memory_space<hbm>> -> memref<256xi32, #tpu.memory_space<hbm>>
    %dma_start3A_23 = arith.constant 0 : i32
    %dma_start3A_24 = tpu.memref_slice %arg18[%dma_start3A_23] : memref<512xi32, #tpu.memory_space<vmem>> -> memref<256xi32, #tpu.memory_space<vmem>>
    %dma_start3A_25 = tpu.memref_slice %arg5[%mul3A_2] : memref<16384xi32, #tpu.memory_space<hbm>> -> memref<256xi32, #tpu.memory_space<hbm>>
    tpu.enqueue_dma source(%dma_start3A_25 : memref<256xi32, #tpu.memory_space<hbm>>) target(%dma_start3A_24 : memref<256xi32, #tpu.memory_space<vmem>>) target_semaphore(%arg20 : memref<!tpu.dma_semaphore, #tpu.memory_space<semaphore_mem>>)
    tpu.enqueue_dma source(%arg6 : memref<21xf32, #tpu.memory_space<hbm>>) target(%arg11 : memref<21xf32, #tpu.memory_space<vmem>>) target_semaphore(%arg20 : memref<!tpu.dma_semaphore, #tpu.memory_space<semaphore_mem>>)
    tpu.enqueue_dma source(%arg7 : memref<36xf32, #tpu.memory_space<hbm>>) target(%arg12 : memref<36xf32, #tpu.memory_space<vmem>>) target_semaphore(%arg20 : memref<!tpu.dma_semaphore, #tpu.memory_space<semaphore_mem>>)
    tpu.enqueue_dma source(%arg8 : memref<6xf32, #tpu.memory_space<hbm>>) target(%arg13 : memref<6xf32, #tpu.memory_space<vmem>>) target_semaphore(%arg20 : memref<!tpu.dma_semaphore, #tpu.memory_space<semaphore_mem>>)
    tpu.enqueue_dma source(%arg9 : memref<96xf32, #tpu.memory_space<hbm>>) target(%arg14 : memref<96xf32, #tpu.memory_space<vmem>>) target_semaphore(%arg20 : memref<!tpu.dma_semaphore, #tpu.memory_space<semaphore_mem>>)
    %add3A_26 = arith.constant 256 : i32
    %add3A_27 = arith.addi %mul3A_2, %add3A_26 : i32
    %dma_start3A_28 = arith.constant 256 : i32
    %dma_start3A_29 = tpu.memref_slice %arg15[%dma_start3A_28] : memref<512xi32, #tpu.memory_space<vmem>> -> memref<256xi32, #tpu.memory_space<vmem>>
    %dma_start3A_30 = tpu.memref_slice %arg2[%add3A_27] : memref<16384xi32, #tpu.memory_space<hbm>> -> memref<256xi32, #tpu.memory_space<hbm>>
    %dma_start3A_31 = arith.constant 256 : i32
    %dma_start3A_32 = tpu.memref_slice %arg15[%dma_start3A_31] : memref<512xi32, #tpu.memory_space<vmem>> -> memref<256xi32, #tpu.memory_space<vmem>>
    %dma_start3A_33 = tpu.memref_slice %arg2[%add3A_27] : memref<16384xi32, #tpu.memory_space<hbm>> -> memref<256xi32, #tpu.memory_space<hbm>>
    tpu.enqueue_dma source(%dma_start3A_33 : memref<256xi32, #tpu.memory_space<hbm>>) target(%dma_start3A_32 : memref<256xi32, #tpu.memory_space<vmem>>) target_semaphore(%arg21 : memref<!tpu.dma_semaphore, #tpu.memory_space<semaphore_mem>>)
    %add3A_34 = arith.constant 256 : i32
    %add3A_35 = arith.addi %mul3A_2, %add3A_34 : i32
    %dma_start3A_36 = arith.constant 256 : i32
    %dma_start3A_37 = tpu.memref_slice %arg16[%dma_start3A_36] : memref<512xi32, #tpu.memory_space<vmem>> -> memref<256xi32, #tpu.memory_space<vmem>>
    %dma_start3A_38 = tpu.memref_slice %arg3[%add3A_35] : memref<16384xi32, #tpu.memory_space<hbm>> -> memref<256xi32, #tpu.memory_space<hbm>>
    %dma_start3A_39 = arith.constant 256 : i32
    %dma_start3A_40 = tpu.memref_slice %arg16[%dma_start3A_39] : memref<512xi32, #tpu.memory_space<vmem>> -> memref<256xi32, #tpu.memory_space<vmem>>
    %dma_start3A_41 = tpu.memref_slice %arg3[%add3A_35] : memref<16384xi32, #tpu.memory_space<hbm>> -> memref<256xi32, #tpu.memory_space<hbm>>
    tpu.enqueue_dma source(%dma_start3A_41 : memref<256xi32, #tpu.memory_space<hbm>>) target(%dma_start3A_40 : memref<256xi32, #tpu.memory_space<vmem>>) target_semaphore(%arg21 : memref<!tpu.dma_semaphore, #tpu.memory_space<semaphore_mem>>)
    %add3A_42 = arith.constant 256 : i32
    %add3A_43 = arith.addi %mul3A_2, %add3A_42 : i32
    %dma_start3A_44 = arith.constant 256 : i32
    %dma_start3A_45 = tpu.memref_slice %arg17[%dma_start3A_44] : memref<512xi32, #tpu.memory_space<vmem>> -> memref<256xi32, #tpu.memory_space<vmem>>
    %dma_start3A_46 = tpu.memref_slice %arg4[%add3A_43] : memref<16384xi32, #tpu.memory_space<hbm>> -> memref<256xi32, #tpu.memory_space<hbm>>
    %dma_start3A_47 = arith.constant 256 : i32
    %dma_start3A_48 = tpu.memref_slice %arg17[%dma_start3A_47] : memref<512xi32, #tpu.memory_space<vmem>> -> memref<256xi32, #tpu.memory_space<vmem>>
    %dma_start3A_49 = tpu.memref_slice %arg4[%add3A_43] : memref<16384xi32, #tpu.memory_space<hbm>> -> memref<256xi32, #tpu.memory_space<hbm>>
    tpu.enqueue_dma source(%dma_start3A_49 : memref<256xi32, #tpu.memory_space<hbm>>) target(%dma_start3A_48 : memref<256xi32, #tpu.memory_space<vmem>>) target_semaphore(%arg21 : memref<!tpu.dma_semaphore, #tpu.memory_space<semaphore_mem>>)
    %add3A_50 = arith.constant 256 : i32
    %add3A_51 = arith.addi %mul3A_2, %add3A_50 : i32
    %dma_start3A_52 = arith.constant 256 : i32
    %dma_start3A_53 = tpu.memref_slice %arg18[%dma_start3A_52] : memref<512xi32, #tpu.memory_space<vmem>> -> memref<256xi32, #tpu.memory_space<vmem>>
    %dma_start3A_54 = tpu.memref_slice %arg5[%add3A_51] : memref<16384xi32, #tpu.memory_space<hbm>> -> memref<256xi32, #tpu.memory_space<hbm>>
    %dma_start3A_55 = arith.constant 256 : i32
    %dma_start3A_56 = tpu.memref_slice %arg18[%dma_start3A_55] : memref<512xi32, #tpu.memory_space<vmem>> -> memref<256xi32, #tpu.memory_space<vmem>>
    %dma_start3A_57 = tpu.memref_slice %arg5[%add3A_51] : memref<16384xi32, #tpu.memory_space<hbm>> -> memref<256xi32, #tpu.memory_space<hbm>>
    tpu.enqueue_dma source(%dma_start3A_57 : memref<256xi32, #tpu.memory_space<hbm>>) target(%dma_start3A_56 : memref<256xi32, #tpu.memory_space<vmem>>) target_semaphore(%arg21 : memref<!tpu.dma_semaphore, #tpu.memory_space<semaphore_mem>>)
    %iota3A = tpu.iota {dimensions = array<i32: 0>} : vector<16xi32>
    %mul3A_58 = arith.constant 12 : i32
    %mul3A_59 = vector.broadcast %mul3A_58 : i32 to vector<16xi32>
    %mul3A_60 = arith.muli %iota3A, %mul3A_59 : vector<16xi32>
    %broadcast_in_dim3A = arith.constant 0 : i32
    %broadcast_in_dim3A_61 = vector.broadcast %broadcast_in_dim3A : i32 to vector<16xi32>
    %broadcast_in_dim3A_62 = arith.constant 1 : i32
    %broadcast_in_dim3A_63 = vector.broadcast %broadcast_in_dim3A_62 : i32 to vector<16xi32>
    %broadcast_in_dim3A_64 = arith.constant 2 : i32
    %broadcast_in_dim3A_65 = vector.broadcast %broadcast_in_dim3A_64 : i32 to vector<16xi32>
    %broadcast_in_dim3A_66 = arith.constant 3 : i32
    %broadcast_in_dim3A_67 = vector.broadcast %broadcast_in_dim3A_66 : i32 to vector<16xi32>
    %broadcast_in_dim3A_68 = arith.constant 4 : i32
    %broadcast_in_dim3A_69 = vector.broadcast %broadcast_in_dim3A_68 : i32 to vector<16xi32>
    %broadcast_in_dim3A_70 = arith.constant 5 : i32
    %broadcast_in_dim3A_71 = vector.broadcast %broadcast_in_dim3A_70 : i32 to vector<16xi32>
    %broadcast_in_dim3A_72 = arith.constant 6 : i32
    %broadcast_in_dim3A_73 = vector.broadcast %broadcast_in_dim3A_72 : i32 to vector<16xi32>
    %broadcast_in_dim3A_74 = arith.constant 7 : i32
    %broadcast_in_dim3A_75 = vector.broadcast %broadcast_in_dim3A_74 : i32 to vector<16xi32>
    %broadcast_in_dim3A_76 = arith.constant 8 : i32
    %broadcast_in_dim3A_77 = vector.broadcast %broadcast_in_dim3A_76 : i32 to vector<16xi32>
    %broadcast_in_dim3A_78 = arith.constant 9 : i32
    %broadcast_in_dim3A_79 = vector.broadcast %broadcast_in_dim3A_78 : i32 to vector<16xi32>
    %broadcast_in_dim3A_80 = arith.constant 10 : i32
    %broadcast_in_dim3A_81 = vector.broadcast %broadcast_in_dim3A_80 : i32 to vector<16xi32>
    %broadcast_in_dim3A_82 = arith.constant 11 : i32
    %broadcast_in_dim3A_83 = vector.broadcast %broadcast_in_dim3A_82 : i32 to vector<16xi32>
    %dma_wait3A = arith.constant 0 : i32
    %dma_wait3A_84 = tpu.memref_slice %arg15[%dma_wait3A] : memref<512xi32, #tpu.memory_space<vmem>> -> memref<256xi32, #tpu.memory_space<vmem>>
    %dma_wait3A_85 = tpu.memref_slice %arg2[%mul3A_2] : memref<16384xi32, #tpu.memory_space<hbm>> -> memref<256xi32, #tpu.memory_space<hbm>>
    %dma_wait3A_86 = arith.constant 0 : i32
    %dma_wait3A_87 = tpu.memref_slice %arg15[%dma_wait3A_86] : memref<512xi32, #tpu.memory_space<vmem>> -> memref<256xi32, #tpu.memory_space<vmem>>
    %dma_wait3A_88 = tpu.memref_slice %arg2[%mul3A_2] : memref<16384xi32, #tpu.memory_space<hbm>> -> memref<256xi32, #tpu.memory_space<hbm>>
    tpu.wait_dma2 semaphore(%arg20 : memref<!tpu.dma_semaphore, #tpu.memory_space<semaphore_mem>>) src(%dma_wait3A_88 : memref<256xi32, #tpu.memory_space<hbm>>) dst(%dma_wait3A_87 : memref<256xi32, #tpu.memory_space<vmem>>)
    %dma_wait3A_89 = arith.constant 0 : i32
    %dma_wait3A_90 = tpu.memref_slice %arg16[%dma_wait3A_89] : memref<512xi32, #tpu.memory_space<vmem>> -> memref<256xi32, #tpu.memory_space<vmem>>
    %dma_wait3A_91 = tpu.memref_slice %arg3[%mul3A_2] : memref<16384xi32, #tpu.memory_space<hbm>> -> memref<256xi32, #tpu.memory_space<hbm>>
    %dma_wait3A_92 = arith.constant 0 : i32
    %dma_wait3A_93 = tpu.memref_slice %arg16[%dma_wait3A_92] : memref<512xi32, #tpu.memory_space<vmem>> -> memref<256xi32, #tpu.memory_space<vmem>>
    %dma_wait3A_94 = tpu.memref_slice %arg3[%mul3A_2] : memref<16384xi32, #tpu.memory_space<hbm>> -> memref<256xi32, #tpu.memory_space<hbm>>
    tpu.wait_dma2 semaphore(%arg20 : memref<!tpu.dma_semaphore, #tpu.memory_space<semaphore_mem>>) src(%dma_wait3A_94 : memref<256xi32, #tpu.memory_space<hbm>>) dst(%dma_wait3A_93 : memref<256xi32, #tpu.memory_space<vmem>>)
    %dma_wait3A_95 = arith.constant 0 : i32
    %dma_wait3A_96 = tpu.memref_slice %arg17[%dma_wait3A_95] : memref<512xi32, #tpu.memory_space<vmem>> -> memref<256xi32, #tpu.memory_space<vmem>>
    %dma_wait3A_97 = tpu.memref_slice %arg4[%mul3A_2] : memref<16384xi32, #tpu.memory_space<hbm>> -> memref<256xi32, #tpu.memory_space<hbm>>
    %dma_wait3A_98 = arith.constant 0 : i32
    %dma_wait3A_99 = tpu.memref_slice %arg17[%dma_wait3A_98] : memref<512xi32, #tpu.memory_space<vmem>> -> memref<256xi32, #tpu.memory_space<vmem>>
    %dma_wait3A_100 = tpu.memref_slice %arg4[%mul3A_2] : memref<16384xi32, #tpu.memory_space<hbm>> -> memref<256xi32, #tpu.memory_space<hbm>>
    tpu.wait_dma2 semaphore(%arg20 : memref<!tpu.dma_semaphore, #tpu.memory_space<semaphore_mem>>) src(%dma_wait3A_100 : memref<256xi32, #tpu.memory_space<hbm>>) dst(%dma_wait3A_99 : memref<256xi32, #tpu.memory_space<vmem>>)
    %dma_wait3A_101 = arith.constant 0 : i32
    %dma_wait3A_102 = tpu.memref_slice %arg18[%dma_wait3A_101] : memref<512xi32, #tpu.memory_space<vmem>> -> memref<256xi32, #tpu.memory_space<vmem>>
    %dma_wait3A_103 = tpu.memref_slice %arg5[%mul3A_2] : memref<16384xi32, #tpu.memory_space<hbm>> -> memref<256xi32, #tpu.memory_space<hbm>>
    %dma_wait3A_104 = arith.constant 0 : i32
    %dma_wait3A_105 = tpu.memref_slice %arg18[%dma_wait3A_104] : memref<512xi32, #tpu.memory_space<vmem>> -> memref<256xi32, #tpu.memory_space<vmem>>
    %dma_wait3A_106 = tpu.memref_slice %arg5[%mul3A_2] : memref<16384xi32, #tpu.memory_space<hbm>> -> memref<256xi32, #tpu.memory_space<hbm>>
    tpu.wait_dma2 semaphore(%arg20 : memref<!tpu.dma_semaphore, #tpu.memory_space<semaphore_mem>>) src(%dma_wait3A_106 : memref<256xi32, #tpu.memory_space<hbm>>) dst(%dma_wait3A_105 : memref<256xi32, #tpu.memory_space<vmem>>)
    tpu.wait_dma2 semaphore(%arg20 : memref<!tpu.dma_semaphore, #tpu.memory_space<semaphore_mem>>) src(%arg6 : memref<21xf32, #tpu.memory_space<hbm>>) dst(%arg11 : memref<21xf32, #tpu.memory_space<vmem>>)
    tpu.wait_dma2 semaphore(%arg20 : memref<!tpu.dma_semaphore, #tpu.memory_space<semaphore_mem>>) src(%arg7 : memref<36xf32, #tpu.memory_space<hbm>>) dst(%arg12 : memref<36xf32, #tpu.memory_space<vmem>>)
    tpu.wait_dma2 semaphore(%arg20 : memref<!tpu.dma_semaphore, #tpu.memory_space<semaphore_mem>>) src(%arg8 : memref<6xf32, #tpu.memory_space<hbm>>) dst(%arg13 : memref<6xf32, #tpu.memory_space<vmem>>)
    tpu.wait_dma2 semaphore(%arg20 : memref<!tpu.dma_semaphore, #tpu.memory_space<semaphore_mem>>) src(%arg9 : memref<96xf32, #tpu.memory_space<hbm>>) dst(%arg14 : memref<96xf32, #tpu.memory_space<vmem>>)
    %scan3A = arith.constant 0 : i32
    %scan3A_107 = arith.constant 0 : i32
    %scan3A_108 = arith.constant 16 : i32
    %scan3A_109 = arith.addi %scan3A_107, %scan3A_108 : i32
    %scan3A_110 = arith.constant 1 : i32
    scf.for %scan3A_174 = %scan3A_107 to %scan3A_109 step %scan3A_110  : i32 {
      %mul3A_175 = arith.constant 16 : i32
      %mul3A_176 = arith.muli %scan3A_174, %mul3A_175 : i32
      %mul3A_177 = arith.constant 12 : i32
      %mul3A_178 = arith.muli %mul3A_176, %mul3A_177 : i32
      %add3A_179 = vector.broadcast %mul3A_178 : i32 to vector<16xi32>
      %add3A_180 = arith.addi %add3A_179, %mul3A_60 : vector<16xi32>
      %get3A = arith.index_cast %mul3A_176 : i32 to index
      %get3A_181 = tpu.vector_load %arg15[%get3A] {strides = array<i32>} : memref<512xi32, #tpu.memory_space<vmem>>, vector<16xi32>,
      %get3A_182 = arith.index_cast %mul3A_176 : i32 to index
      %get3A_183 = tpu.vector_load %arg16[%get3A_182] {strides = array<i32>} : memref<512xi32, #tpu.memory_space<vmem>>, vector<16xi32>,
      %get3A_184 = arith.index_cast %mul3A_176 : i32 to index
      %get3A_185 = tpu.vector_load %arg17[%get3A_184] {strides = array<i32>} : memref<512xi32, #tpu.memory_space<vmem>>, vector<16xi32>,
      %get3A_186 = arith.index_cast %mul3A_176 : i32 to index
      %get3A_187 = tpu.vector_load %arg18[%get3A_186] {strides = array<i32>} : memref<512xi32, #tpu.memory_space<vmem>>, vector<16xi32>,
      %mul3A_188 = arith.constant 3 : i32
      %mul3A_189 = vector.broadcast %mul3A_188 : i32 to vector<16xi32>
      %mul3A_190 = arith.muli %get3A_181, %mul3A_189 : vector<16xi32>
      %add3A_191 = arith.addi %mul3A_190, %broadcast_in_dim3A_61 : vector<16xi32>
      %gather3A = tpu.vector_load_idx %arg11[%add3A_191] : memref<21xf32, #tpu.memory_space<vmem>>[vector<16xi32>], vector<16xf32>,
      %add3A_192 = arith.addi %add3A_180, %broadcast_in_dim3A_61 : vector<16xi32>
      tpu.vector_store_idx %arg19[%add3A_192], %gather3A : memref<6144xf32, #tpu.memory_space<vmem>>[vector<16xi32>], vector<16xf32>,
      %add3A_193 = arith.addi %mul3A_190, %broadcast_in_dim3A_63 : vector<16xi32>
      %gather3A_194 = tpu.vector_load_idx %arg11[%add3A_193] : memref<21xf32, #tpu.memory_space<vmem>>[vector<16xi32>], vector<16xf32>,
      %add3A_195 = arith.addi %add3A_180, %broadcast_in_dim3A_63 : vector<16xi32>
      tpu.vector_store_idx %arg19[%add3A_195], %gather3A_194 : memref<6144xf32, #tpu.memory_space<vmem>>[vector<16xi32>], vector<16xf32>,
      %add3A_196 = arith.addi %mul3A_190, %broadcast_in_dim3A_65 : vector<16xi32>
      %gather3A_197 = tpu.vector_load_idx %arg11[%add3A_196] : memref<21xf32, #tpu.memory_space<vmem>>[vector<16xi32>], vector<16xf32>,
      %add3A_198 = arith.addi %add3A_180, %broadcast_in_dim3A_65 : vector<16xi32>
      tpu.vector_store_idx %arg19[%add3A_198], %gather3A_197 : memref<6144xf32, #tpu.memory_space<vmem>>[vector<16xi32>], vector<16xf32>,
      %mul3A_199 = arith.constant 3 : i32
      %mul3A_200 = vector.broadcast %mul3A_199 : i32 to vector<16xi32>
      %mul3A_201 = arith.muli %get3A_183, %mul3A_200 : vector<16xi32>
      %add3A_202 = arith.addi %mul3A_201, %broadcast_in_dim3A_61 : vector<16xi32>
      %gather3A_203 = tpu.vector_load_idx %arg12[%add3A_202] : memref<36xf32, #tpu.memory_space<vmem>>[vector<16xi32>], vector<16xf32>,
      %add3A_204 = arith.addi %add3A_180, %broadcast_in_dim3A_67 : vector<16xi32>
      tpu.vector_store_idx %arg19[%add3A_204], %gather3A_203 : memref<6144xf32, #tpu.memory_space<vmem>>[vector<16xi32>], vector<16xf32>,
      %add3A_205 = arith.addi %mul3A_201, %broadcast_in_dim3A_63 : vector<16xi32>
      %gather3A_206 = tpu.vector_load_idx %arg12[%add3A_205] : memref<36xf32, #tpu.memory_space<vmem>>[vector<16xi32>], vector<16xf32>,
      %add3A_207 = arith.addi %add3A_180, %broadcast_in_dim3A_69 : vector<16xi32>
      tpu.vector_store_idx %arg19[%add3A_207], %gather3A_206 : memref<6144xf32, #tpu.memory_space<vmem>>[vector<16xi32>], vector<16xf32>,
      %add3A_208 = arith.addi %mul3A_201, %broadcast_in_dim3A_65 : vector<16xi32>
      %gather3A_209 = tpu.vector_load_idx %arg12[%add3A_208] : memref<36xf32, #tpu.memory_space<vmem>>[vector<16xi32>], vector<16xf32>,
      %add3A_210 = arith.addi %add3A_180, %broadcast_in_dim3A_71 : vector<16xi32>
      tpu.vector_store_idx %arg19[%add3A_210], %gather3A_209 : memref<6144xf32, #tpu.memory_space<vmem>>[vector<16xi32>], vector<16xf32>,
      %mul3A_211 = arith.constant 2 : i32
      %mul3A_212 = vector.broadcast %mul3A_211 : i32 to vector<16xi32>
      %mul3A_213 = arith.muli %get3A_185, %mul3A_212 : vector<16xi32>
      %add3A_214 = arith.addi %mul3A_213, %broadcast_in_dim3A_61 : vector<16xi32>
      %gather3A_215 = tpu.vector_load_idx %arg13[%add3A_214] : memref<6xf32, #tpu.memory_space<vmem>>[vector<16xi32>], vector<16xf32>,
      %add3A_216 = arith.addi %add3A_180, %broadcast_in_dim3A_73 : vector<16xi32>
      tpu.vector_store_idx %arg19[%add3A_216], %gather3A_215 : memref<6144xf32, #tpu.memory_space<vmem>>[vector<16xi32>], vector<16xf32>,
      %add3A_217 = arith.addi %mul3A_213, %broadcast_in_dim3A_63 : vector<16xi32>
      %gather3A_218 = tpu.vector_load_idx %arg13[%add3A_217] : memref<6xf32, #tpu.memory_space<vmem>>[vector<16xi32>], vector<16xf32>,
      %add3A_219 = arith.addi %add3A_180, %broadcast_in_dim3A_75 : vector<16xi32>
      tpu.vector_store_idx %arg19[%add3A_219], %gather3A_218 : memref<6144xf32, #tpu.memory_space<vmem>>[vector<16xi32>], vector<16xf32>,
      %mul3A_220 = arith.constant 4 : i32
      %mul3A_221 = vector.broadcast %mul3A_220 : i32 to vector<16xi32>
      %mul3A_222 = arith.muli %get3A_187, %mul3A_221 : vector<16xi32>
      %add3A_223 = arith.addi %mul3A_222, %broadcast_in_dim3A_61 : vector<16xi32>
      %gather3A_224 = tpu.vector_load_idx %arg14[%add3A_223] : memref<96xf32, #tpu.memory_space<vmem>>[vector<16xi32>], vector<16xf32>,
      %add3A_225 = arith.addi %add3A_180, %broadcast_in_dim3A_77 : vector<16xi32>
      tpu.vector_store_idx %arg19[%add3A_225], %gather3A_224 : memref<6144xf32, #tpu.memory_space<vmem>>[vector<16xi32>], vector<16xf32>,
      %add3A_226 = arith.addi %mul3A_222, %broadcast_in_dim3A_63 : vector<16xi32>
      %gather3A_227 = tpu.vector_load_idx %arg14[%add3A_226] : memref<96xf32, #tpu.memory_space<vmem>>[vector<16xi32>], vector<16xf32>,
      %add3A_228 = arith.addi %add3A_180, %broadcast_in_dim3A_79 : vector<16xi32>
      tpu.vector_store_idx %arg19[%add3A_228], %gather3A_227 : memref<6144xf32, #tpu.memory_space<vmem>>[vector<16xi32>], vector<16xf32>,
      %add3A_229 = arith.addi %mul3A_222, %broadcast_in_dim3A_65 : vector<16xi32>
      %gather3A_230 = tpu.vector_load_idx %arg14[%add3A_229] : memref<96xf32, #tpu.memory_space<vmem>>[vector<16xi32>], vector<16xf32>,
      %add3A_231 = arith.addi %add3A_180, %broadcast_in_dim3A_81 : vector<16xi32>
      tpu.vector_store_idx %arg19[%add3A_231], %gather3A_230 : memref<6144xf32, #tpu.memory_space<vmem>>[vector<16xi32>], vector<16xf32>,
      %add3A_232 = arith.addi %mul3A_222, %broadcast_in_dim3A_67 : vector<16xi32>
      %gather3A_233 = tpu.vector_load_idx %arg14[%add3A_232] : memref<96xf32, #tpu.memory_space<vmem>>[vector<16xi32>], vector<16xf32>,
      %add3A_234 = arith.addi %add3A_180, %broadcast_in_dim3A_83 : vector<16xi32>
      tpu.vector_store_idx %arg19[%add3A_234], %gather3A_233 : memref<6144xf32, #tpu.memory_space<vmem>>[vector<16xi32>], vector<16xf32>,
    }
    %scan3A_111 = arith.constant 16 : i32
    %mul3A_112 = arith.constant 12 : i32
    %mul3A_113 = arith.muli %mul3A_2, %mul3A_112 : i32
    %add3A_114 = arith.constant 0 : i32
    %add3A_115 = arith.addi %mul3A_113, %add3A_114 : i32
    %dma_start3A_116 = arith.constant 0 : i32
    %dma_start3A_117 = tpu.memref_slice %arg19[%dma_start3A_116] : memref<6144xf32, #tpu.memory_space<vmem>> -> memref<3072xf32, #tpu.memory_space<vmem>>
    %dma_start3A_118 = tpu.memref_slice %arg10[%add3A_115] : memref<196608xf32, #tpu.memory_space<hbm>> -> memref<3072xf32, #tpu.memory_space<hbm>>
    %dma_start3A_119 = tpu.memref_slice %arg10[%add3A_115] : memref<196608xf32, #tpu.memory_space<hbm>> -> memref<3072xf32, #tpu.memory_space<hbm>>
    %dma_start3A_120 = arith.constant 0 : i32
    %dma_start3A_121 = tpu.memref_slice %arg19[%dma_start3A_120] : memref<6144xf32, #tpu.memory_space<vmem>> -> memref<3072xf32, #tpu.memory_space<vmem>>
    tpu.enqueue_dma source(%dma_start3A_121 : memref<3072xf32, #tpu.memory_space<vmem>>) target(%dma_start3A_119 : memref<3072xf32, #tpu.memory_space<hbm>>) target_semaphore(%arg22 : memref<!tpu.dma_semaphore, #tpu.memory_space<semaphore_mem>>)
    %dma_wait3A_122 = arith.constant 256 : i32
    %dma_wait3A_123 = tpu.memref_slice %arg15[%dma_wait3A_122] : memref<512xi32, #tpu.memory_space<vmem>> -> memref<256xi32, #tpu.memory_space<vmem>>
    %dma_wait3A_124 = tpu.memref_slice %arg2[%add3A_27] : memref<16384xi32, #tpu.memory_space<hbm>> -> memref<256xi32, #tpu.memory_space<hbm>>
    %dma_wait3A_125 = arith.constant 256 : i32
    %dma_wait3A_126 = tpu.memref_slice %arg15[%dma_wait3A_125] : memref<512xi32, #tpu.memory_space<vmem>> -> memref<256xi32, #tpu.memory_space<vmem>>
    %dma_wait3A_127 = tpu.memref_slice %arg2[%add3A_27] : memref<16384xi32, #tpu.memory_space<hbm>> -> memref<256xi32, #tpu.memory_space<hbm>>
    tpu.wait_dma2 semaphore(%arg21 : memref<!tpu.dma_semaphore, #tpu.memory_space<semaphore_mem>>) src(%dma_wait3A_127 : memref<256xi32, #tpu.memory_space<hbm>>) dst(%dma_wait3A_126 : memref<256xi32, #tpu.memory_space<vmem>>)
    %dma_wait3A_128 = arith.constant 256 : i32
    %dma_wait3A_129 = tpu.memref_slice %arg16[%dma_wait3A_128] : memref<512xi32, #tpu.memory_space<vmem>> -> memref<256xi32, #tpu.memory_space<vmem>>
    %dma_wait3A_130 = tpu.memref_slice %arg3[%add3A_35] : memref<16384xi32, #tpu.memory_space<hbm>> -> memref<256xi32, #tpu.memory_space<hbm>>
    %dma_wait3A_131 = arith.constant 256 : i32
    %dma_wait3A_132 = tpu.memref_slice %arg16[%dma_wait3A_131] : memref<512xi32, #tpu.memory_space<vmem>> -> memref<256xi32, #tpu.memory_space<vmem>>
    %dma_wait3A_133 = tpu.memref_slice %arg3[%add3A_35] : memref<16384xi32, #tpu.memory_space<hbm>> -> memref<256xi32, #tpu.memory_space<hbm>>
    tpu.wait_dma2 semaphore(%arg21 : memref<!tpu.dma_semaphore, #tpu.memory_space<semaphore_mem>>) src(%dma_wait3A_133 : memref<256xi32, #tpu.memory_space<hbm>>) dst(%dma_wait3A_132 : memref<256xi32, #tpu.memory_space<vmem>>)
    %dma_wait3A_134 = arith.constant 256 : i32
    %dma_wait3A_135 = tpu.memref_slice %arg17[%dma_wait3A_134] : memref<512xi32, #tpu.memory_space<vmem>> -> memref<256xi32, #tpu.memory_space<vmem>>
    %dma_wait3A_136 = tpu.memref_slice %arg4[%add3A_43] : memref<16384xi32, #tpu.memory_space<hbm>> -> memref<256xi32, #tpu.memory_space<hbm>>
    %dma_wait3A_137 = arith.constant 256 : i32
    %dma_wait3A_138 = tpu.memref_slice %arg17[%dma_wait3A_137] : memref<512xi32, #tpu.memory_space<vmem>> -> memref<256xi32, #tpu.memory_space<vmem>>
    %dma_wait3A_139 = tpu.memref_slice %arg4[%add3A_43] : memref<16384xi32, #tpu.memory_space<hbm>> -> memref<256xi32, #tpu.memory_space<hbm>>
    tpu.wait_dma2 semaphore(%arg21 : memref<!tpu.dma_semaphore, #tpu.memory_space<semaphore_mem>>) src(%dma_wait3A_139 : memref<256xi32, #tpu.memory_space<hbm>>) dst(%dma_wait3A_138 : memref<256xi32, #tpu.memory_space<vmem>>)
    %dma_wait3A_140 = arith.constant 256 : i32
    %dma_wait3A_141 = tpu.memref_slice %arg18[%dma_wait3A_140] : memref<512xi32, #tpu.memory_space<vmem>> -> memref<256xi32, #tpu.memory_space<vmem>>
    %dma_wait3A_142 = tpu.memref_slice %arg5[%add3A_51] : memref<16384xi32, #tpu.memory_space<hbm>> -> memref<256xi32, #tpu.memory_space<hbm>>
    %dma_wait3A_143 = arith.constant 256 : i32
    %dma_wait3A_144 = tpu.memref_slice %arg18[%dma_wait3A_143] : memref<512xi32, #tpu.memory_space<vmem>> -> memref<256xi32, #tpu.memory_space<vmem>>
    %dma_wait3A_145 = tpu.memref_slice %arg5[%add3A_51] : memref<16384xi32, #tpu.memory_space<hbm>> -> memref<256xi32, #tpu.memory_space<hbm>>
    tpu.wait_dma2 semaphore(%arg21 : memref<!tpu.dma_semaphore, #tpu.memory_space<semaphore_mem>>) src(%dma_wait3A_145 : memref<256xi32, #tpu.memory_space<hbm>>) dst(%dma_wait3A_144 : memref<256xi32, #tpu.memory_space<vmem>>)
    %scan3A_146 = arith.constant 0 : i32
    %scan3A_147 = arith.constant 16 : i32
    %scan3A_148 = arith.constant 16 : i32
    %scan3A_149 = arith.addi %scan3A_147, %scan3A_148 : i32
    %scan3A_150 = arith.constant 1 : i32
    scf.for %scan3A_174 = %scan3A_147 to %scan3A_149 step %scan3A_150  : i32 {
      %mul3A_175 = arith.constant 16 : i32
      %mul3A_176 = arith.muli %scan3A_174, %mul3A_175 : i32
      %mul3A_177 = arith.constant 12 : i32
      %mul3A_178 = arith.muli %mul3A_176, %mul3A_177 : i32
      %add3A_179 = vector.broadcast %mul3A_178 : i32 to vector<16xi32>
      %add3A_180 = arith.addi %add3A_179, %mul3A_60 : vector<16xi32>
      %get3A = arith.index_cast %mul3A_176 : i32 to index
      %get3A_181 = tpu.vector_load %arg15[%get3A] {strides = array<i32>} : memref<512xi32, #tpu.memory_space<vmem>>, vector<16xi32>,
      %get3A_182 = arith.index_cast %mul3A_176 : i32 to index
      %get3A_183 = tpu.vector_load %arg16[%get3A_182] {strides = array<i32>} : memref<512xi32, #tpu.memory_space<vmem>>, vector<16xi32>,
      %get3A_184 = arith.index_cast %mul3A_176 : i32 to index
      %get3A_185 = tpu.vector_load %arg17[%get3A_184] {strides = array<i32>} : memref<512xi32, #tpu.memory_space<vmem>>, vector<16xi32>,
      %get3A_186 = arith.index_cast %mul3A_176 : i32 to index
      %get3A_187 = tpu.vector_load %arg18[%get3A_186] {strides = array<i32>} : memref<512xi32, #tpu.memory_space<vmem>>, vector<16xi32>,
      %mul3A_188 = arith.constant 3 : i32
      %mul3A_189 = vector.broadcast %mul3A_188 : i32 to vector<16xi32>
      %mul3A_190 = arith.muli %get3A_181, %mul3A_189 : vector<16xi32>
      %add3A_191 = arith.addi %mul3A_190, %broadcast_in_dim3A_61 : vector<16xi32>
      %gather3A = tpu.vector_load_idx %arg11[%add3A_191] : memref<21xf32, #tpu.memory_space<vmem>>[vector<16xi32>], vector<16xf32>,
      %add3A_192 = arith.addi %add3A_180, %broadcast_in_dim3A_61 : vector<16xi32>
      tpu.vector_store_idx %arg19[%add3A_192], %gather3A : memref<6144xf32, #tpu.memory_space<vmem>>[vector<16xi32>], vector<16xf32>,
      %add3A_193 = arith.addi %mul3A_190, %broadcast_in_dim3A_63 : vector<16xi32>
      %gather3A_194 = tpu.vector_load_idx %arg11[%add3A_193] : memref<21xf32, #tpu.memory_space<vmem>>[vector<16xi32>], vector<16xf32>,
      %add3A_195 = arith.addi %add3A_180, %broadcast_in_dim3A_63 : vector<16xi32>
      tpu.vector_store_idx %arg19[%add3A_195], %gather3A_194 : memref<6144xf32, #tpu.memory_space<vmem>>[vector<16xi32>], vector<16xf32>,
      %add3A_196 = arith.addi %mul3A_190, %broadcast_in_dim3A_65 : vector<16xi32>
      %gather3A_197 = tpu.vector_load_idx %arg11[%add3A_196] : memref<21xf32, #tpu.memory_space<vmem>>[vector<16xi32>], vector<16xf32>,
      %add3A_198 = arith.addi %add3A_180, %broadcast_in_dim3A_65 : vector<16xi32>
      tpu.vector_store_idx %arg19[%add3A_198], %gather3A_197 : memref<6144xf32, #tpu.memory_space<vmem>>[vector<16xi32>], vector<16xf32>,
      %mul3A_199 = arith.constant 3 : i32
      %mul3A_200 = vector.broadcast %mul3A_199 : i32 to vector<16xi32>
      %mul3A_201 = arith.muli %get3A_183, %mul3A_200 : vector<16xi32>
      %add3A_202 = arith.addi %mul3A_201, %broadcast_in_dim3A_61 : vector<16xi32>
      %gather3A_203 = tpu.vector_load_idx %arg12[%add3A_202] : memref<36xf32, #tpu.memory_space<vmem>>[vector<16xi32>], vector<16xf32>,
      %add3A_204 = arith.addi %add3A_180, %broadcast_in_dim3A_67 : vector<16xi32>
      tpu.vector_store_idx %arg19[%add3A_204], %gather3A_203 : memref<6144xf32, #tpu.memory_space<vmem>>[vector<16xi32>], vector<16xf32>,
      %add3A_205 = arith.addi %mul3A_201, %broadcast_in_dim3A_63 : vector<16xi32>
      %gather3A_206 = tpu.vector_load_idx %arg12[%add3A_205] : memref<36xf32, #tpu.memory_space<vmem>>[vector<16xi32>], vector<16xf32>,
      %add3A_207 = arith.addi %add3A_180, %broadcast_in_dim3A_69 : vector<16xi32>
      tpu.vector_store_idx %arg19[%add3A_207], %gather3A_206 : memref<6144xf32, #tpu.memory_space<vmem>>[vector<16xi32>], vector<16xf32>,
      %add3A_208 = arith.addi %mul3A_201, %broadcast_in_dim3A_65 : vector<16xi32>
      %gather3A_209 = tpu.vector_load_idx %arg12[%add3A_208] : memref<36xf32, #tpu.memory_space<vmem>>[vector<16xi32>], vector<16xf32>,
      %add3A_210 = arith.addi %add3A_180, %broadcast_in_dim3A_71 : vector<16xi32>
      tpu.vector_store_idx %arg19[%add3A_210], %gather3A_209 : memref<6144xf32, #tpu.memory_space<vmem>>[vector<16xi32>], vector<16xf32>,
      %mul3A_211 = arith.constant 2 : i32
      %mul3A_212 = vector.broadcast %mul3A_211 : i32 to vector<16xi32>
      %mul3A_213 = arith.muli %get3A_185, %mul3A_212 : vector<16xi32>
      %add3A_214 = arith.addi %mul3A_213, %broadcast_in_dim3A_61 : vector<16xi32>
      %gather3A_215 = tpu.vector_load_idx %arg13[%add3A_214] : memref<6xf32, #tpu.memory_space<vmem>>[vector<16xi32>], vector<16xf32>,
      %add3A_216 = arith.addi %add3A_180, %broadcast_in_dim3A_73 : vector<16xi32>
      tpu.vector_store_idx %arg19[%add3A_216], %gather3A_215 : memref<6144xf32, #tpu.memory_space<vmem>>[vector<16xi32>], vector<16xf32>,
      %add3A_217 = arith.addi %mul3A_213, %broadcast_in_dim3A_63 : vector<16xi32>
      %gather3A_218 = tpu.vector_load_idx %arg13[%add3A_217] : memref<6xf32, #tpu.memory_space<vmem>>[vector<16xi32>], vector<16xf32>,
      %add3A_219 = arith.addi %add3A_180, %broadcast_in_dim3A_75 : vector<16xi32>
      tpu.vector_store_idx %arg19[%add3A_219], %gather3A_218 : memref<6144xf32, #tpu.memory_space<vmem>>[vector<16xi32>], vector<16xf32>,
      %mul3A_220 = arith.constant 4 : i32
      %mul3A_221 = vector.broadcast %mul3A_220 : i32 to vector<16xi32>
      %mul3A_222 = arith.muli %get3A_187, %mul3A_221 : vector<16xi32>
      %add3A_223 = arith.addi %mul3A_222, %broadcast_in_dim3A_61 : vector<16xi32>
      %gather3A_224 = tpu.vector_load_idx %arg14[%add3A_223] : memref<96xf32, #tpu.memory_space<vmem>>[vector<16xi32>], vector<16xf32>,
      %add3A_225 = arith.addi %add3A_180, %broadcast_in_dim3A_77 : vector<16xi32>
      tpu.vector_store_idx %arg19[%add3A_225], %gather3A_224 : memref<6144xf32, #tpu.memory_space<vmem>>[vector<16xi32>], vector<16xf32>,
      %add3A_226 = arith.addi %mul3A_222, %broadcast_in_dim3A_63 : vector<16xi32>
      %gather3A_227 = tpu.vector_load_idx %arg14[%add3A_226] : memref<96xf32, #tpu.memory_space<vmem>>[vector<16xi32>], vector<16xf32>,
      %add3A_228 = arith.addi %add3A_180, %broadcast_in_dim3A_79 : vector<16xi32>
      tpu.vector_store_idx %arg19[%add3A_228], %gather3A_227 : memref<6144xf32, #tpu.memory_space<vmem>>[vector<16xi32>], vector<16xf32>,
      %add3A_229 = arith.addi %mul3A_222, %broadcast_in_dim3A_65 : vector<16xi32>
      %gather3A_230 = tpu.vector_load_idx %arg14[%add3A_229] : memref<96xf32, #tpu.memory_space<vmem>>[vector<16xi32>], vector<16xf32>,
      %add3A_231 = arith.addi %add3A_180, %broadcast_in_dim3A_81 : vector<16xi32>
      tpu.vector_store_idx %arg19[%add3A_231], %gather3A_230 : memref<6144xf32, #tpu.memory_space<vmem>>[vector<16xi32>], vector<16xf32>,
      %add3A_232 = arith.addi %mul3A_222, %broadcast_in_dim3A_67 : vector<16xi32>
      %gather3A_233 = tpu.vector_load_idx %arg14[%add3A_232] : memref<96xf32, #tpu.memory_space<vmem>>[vector<16xi32>], vector<16xf32>,
      %add3A_234 = arith.addi %add3A_180, %broadcast_in_dim3A_83 : vector<16xi32>
      tpu.vector_store_idx %arg19[%add3A_234], %gather3A_233 : memref<6144xf32, #tpu.memory_space<vmem>>[vector<16xi32>], vector<16xf32>,
    }
    %scan3A_151 = arith.constant 16 : i32
    %mul3A_152 = arith.constant 12 : i32
    %mul3A_153 = arith.muli %mul3A_2, %mul3A_152 : i32
    %add3A_154 = arith.constant 3072 : i32
    %add3A_155 = arith.addi %mul3A_153, %add3A_154 : i32
    %dma_start3A_156 = arith.constant 3072 : i32
    %dma_start3A_157 = tpu.memref_slice %arg19[%dma_start3A_156] : memref<6144xf32, #tpu.memory_space<vmem>> -> memref<3072xf32, #tpu.memory_space<vmem>>
    %dma_start3A_158 = tpu.memref_slice %arg10[%add3A_155] : memref<196608xf32, #tpu.memory_space<hbm>> -> memref<3072xf32, #tpu.memory_space<hbm>>
    %dma_start3A_159 = tpu.memref_slice %arg10[%add3A_155] : memref<196608xf32, #tpu.memory_space<hbm>> -> memref<3072xf32, #tpu.memory_space<hbm>>
    %dma_start3A_160 = arith.constant 3072 : i32
    %dma_start3A_161 = tpu.memref_slice %arg19[%dma_start3A_160] : memref<6144xf32, #tpu.memory_space<vmem>> -> memref<3072xf32, #tpu.memory_space<vmem>>
    tpu.enqueue_dma source(%dma_start3A_161 : memref<3072xf32, #tpu.memory_space<vmem>>) target(%dma_start3A_159 : memref<3072xf32, #tpu.memory_space<hbm>>) target_semaphore(%arg22 : memref<!tpu.dma_semaphore, #tpu.memory_space<semaphore_mem>>)
    %dma_wait3A_162 = arith.constant 0 : i32
    %dma_wait3A_163 = tpu.memref_slice %arg19[%dma_wait3A_162] : memref<6144xf32, #tpu.memory_space<vmem>> -> memref<3072xf32, #tpu.memory_space<vmem>>
    %dma_wait3A_164 = tpu.memref_slice %arg10[%add3A_115] : memref<196608xf32, #tpu.memory_space<hbm>> -> memref<3072xf32, #tpu.memory_space<hbm>>
    %dma_wait3A_165 = tpu.memref_slice %arg10[%add3A_115] : memref<196608xf32, #tpu.memory_space<hbm>> -> memref<3072xf32, #tpu.memory_space<hbm>>
    %dma_wait3A_166 = arith.constant 0 : i32
    %dma_wait3A_167 = tpu.memref_slice %arg19[%dma_wait3A_166] : memref<6144xf32, #tpu.memory_space<vmem>> -> memref<3072xf32, #tpu.memory_space<vmem>>
    tpu.wait_dma2 semaphore(%arg22 : memref<!tpu.dma_semaphore, #tpu.memory_space<semaphore_mem>>) src(%dma_wait3A_167 : memref<3072xf32, #tpu.memory_space<vmem>>) dst(%dma_wait3A_165 : memref<3072xf32, #tpu.memory_space<hbm>>)
    %dma_wait3A_168 = arith.constant 3072 : i32
    %dma_wait3A_169 = tpu.memref_slice %arg19[%dma_wait3A_168] : memref<6144xf32, #tpu.memory_space<vmem>> -> memref<3072xf32, #tpu.memory_space<vmem>>
    %dma_wait3A_170 = tpu.memref_slice %arg10[%add3A_155] : memref<196608xf32, #tpu.memory_space<hbm>> -> memref<3072xf32, #tpu.memory_space<hbm>>
    %dma_wait3A_171 = tpu.memref_slice %arg10[%add3A_155] : memref<196608xf32, #tpu.memory_space<hbm>> -> memref<3072xf32, #tpu.memory_space<hbm>>
    %dma_wait3A_172 = arith.constant 3072 : i32
    %dma_wait3A_173 = tpu.memref_slice %arg19[%dma_wait3A_172] : memref<6144xf32, #tpu.memory_space<vmem>> -> memref<3072xf32, #tpu.memory_space<vmem>>
    tpu.wait_dma2 semaphore(%arg22 : memref<!tpu.dma_semaphore, #tpu.memory_space<semaphore_mem>>) src(%dma_wait3A_173 : memref<3072xf32, #tpu.memory_space<vmem>>) dst(%dma_wait3A_171 : memref<3072xf32, #tpu.memory_space<hbm>>)
    return
  }
}

</mosaic_0001>

<sc_bundles>
// kernel: kernel.3.cloned.1.call-start
scs
__scs_entry_jumppad:
0x0: {  	(pc) =	sbr.rel $0x88, $3  }
0x1: {  	(tag) =	ssettag $0x0;
	lr =	simm.s32 $0x1  }
0x2: {  	[smem:$0x3F99] =	sst lr;
	_ =	strace $0xD0000000  }
0x3: {  	_ = 	snop  }
0x4: {  	_ = 	snop  }
0x5: {  	_ = 	snop  }
0x6: {  	_ = 	snop  }
0x7: {  	_ = 	snop  }
__scs_overlays_trampoline_lowered:
0x8: {  	[smem:$0x3FA8] =	sst s0  }
0x9: {  	[smem:$0x3FA9] =	sst s1  }
0xa: {  	[smem:$0x3FAA] =	sst s2  }
0xb: {  	[smem:$0x3FAB] =	sst s3  }
0xc: {  	[smem:$0x3FAC] =	sst s4  }
0xd: {  	[smem:$0x3FAD] =	sst s5  }
0xe: {  	[smem:$0x3FAE] =	sst s6  }
0xf: {  	[smem:$0x3FAF] =	sst s7  }
0x10: {  	[smem:$0x3FB0] =	sst s8  }
0x11: {  	[smem:$0x3FB1] =	sst s9;
	s0 =	simm.s32 @!p0 $0x0  }
0x12: {  	s1 =	sld [smem:$0x3F97];
	s0 =	simm.s32 @p0 $0x1  }
0x13: {  	[smem:$0x3FB2] =	sst s0;
	s0 =	simm.s32 @!p1 $0x0  }
0x14: {  	s2 =	sld [smem:$0x3F96];
	s0 =	simm.s32 @p1 $0x1  }
0x15: {  	[smem:$0x3FB3] =	sst s0;
	s0 =	simm.s32 @!p2 $0x0  }
0x16: {  	s3 =	sld [smem:$0x3FDB];
	s0 =	simm.s32 @p2 $0x1  }
0x17: {  	s4 =	simm.s32 $0x1BF5;
	[smem:$0x3FB5] =	sst s0  }
0x18: {  	s0 =	sld [smem:$0x3F98];
	_ =	swait.ge [sflag:s4], $0x0  }
0x19: {  	s7 =	sld [smem:$0x3F99]  }
0x1a: {  	s8 =	sadd.s32 $0xFFFFE003, lr  }
0x1b: {  	s9 =	sadd.s32 $0xFFFFFEF7, lr;
	s5 =	simm.s32 $0xFFFFFFFF;
	p2 =	slt.u32 s8, $0xFFFFF086  }
0x1c: {  	p1 =	slt.u32 s9, $0xF7A;
	s5 =	simm.s32 @!p2 $0x0  }
0x1d: {  	s5 =	simm.s32 @p1 $0x1;
	p0 =	seq.s32 s7, s2  }
0x1e: {  	s7 =	smul.u32 @!p0 $0xF7A, s2;
	p2 =	seq.s32 @!p0 s5, $0x0  }
0x1f: {  	s9 =	smul.u32 $0xF7A, s1;
	s8 =	simm.s32 @!p0 $0x1BF5;
	p2 =	por !p2, p0  }
0x20: {  	[sflag:s8] =	ssyncset.s32 @!p0 $0xFFFFF086;
	s6 =	sadd.s32 @!p0 s3, s7;
	s7 =	simm.s32 @!p0 $0x108  }
0x21: {  	s3 =	sadd.s32 s3, s9;
	s6 =	sadd.s32 @!p0 $0x88, s6;
	s7 =	simm.s32 @p2 $0x1082  }
0x22: {  	[simem:s7], [sflag:s8] =	dma.local @!p0 [hbm:s6], $0xF7A  }
0x23: {  	s9 =	sor.u32 $0xD0000000, s2;
	s6 =	simm.s32 $0x108;
	_ =	swait.ge @!p0 [sflag:s8], $0x0  }
0x24: {  	s3 =	sadd.s32 $0x88, s3;
	s6 =	simm.s32 @!p1 $0x1082;
	[sflag:s4] =	ssyncset.s32 $0xFFFFF086  }
0x25: {  	[simem:s6], [sflag:s4] =	dma.local [hbm:s3], $0xF7A  }
0x26: {  	[smem:$0x3F99] =	sst s1;
	(tag) =	ssettag s2;
	_ =	strace s9  }
0x27: {  	s1 =	sld [smem:$0x3FA9]  }
0x28: {  	s2 =	sld [smem:$0x3FAA]  }
0x29: {  	s4 =	sld [smem:$0x3FAC]  }
0x2a: {  	p0 =	seq.s32 s5, $0x0;
	s5 =	sld [smem:$0x3FAD]  }
0x2b: {  	s6 =	sld [smem:$0x3FAE]  }
0x2c: {  	s7 =	sld [smem:$0x3FAF]  }
0x2d: {  	s3 =	simm.s32 $0x108;
	s8 =	sld [smem:$0x3FB0]  }
0x2e: {  	s3 =	simm.s32 @!p0 $0x1082;
	s9 =	sld [smem:$0x3FB1]  }
0x2f: {  	lr =	sadd.s32 s0, s3;
	s0 =	sld [smem:$0x3FA8]  }
0x30: {  	s3 =	sld [smem:$0x3FAB]  }
0x31: {  	[smem:$0x3FB4] =	sst s10  }
0x32: {  	s10 =	sld [smem:$0x3FB2];
	_ =	sdelay $0x3  }
0x33: {  	p0 =	seq.s32 s10, $0x1;
	s10 =	sld [smem:$0x3FB4];
	_ =	sdelay $0x3  }
0x34: {  	[smem:$0x3FB4] =	sst s10  }
0x35: {  	s10 =	sld [smem:$0x3FB3];
	_ =	sdelay $0x3  }
0x36: {  	p1 =	seq.s32 s10, $0x1;
	s10 =	sld [smem:$0x3FB4];
	_ =	sdelay $0x3  }
0x37: {  	[smem:$0x3FB4] =	sst s10  }
0x38: {  	s10 =	sld [smem:$0x3FB5]  }
0x39: {  	_ = 	snop;
	(pc) =	sbr.ind lr, $3  }
0x3a: {  	_ = 	snop  }
0x3b: {  	_ = 	snop  }
0x3c: {  	p2 =	seq.s32 s10, $0x1;
	s10 =	sld [smem:$0x3FB4]  }
0x3d: {  	_ =	shalt  }
0x3e: {  	_ =	shalt  }
0x3f: {  	_ =	shalt  }
0x40: {  	_ =	shalt  }
0x41: {  	_ =	shalt  }
0x42: {  	_ =	shalt  }
0x43: {  	_ =	shalt  }
0x44: {  	_ =	shalt  }
0x45: {  	_ =	shalt  }
0x46: {  	_ =	shalt  }
0x47: {  	_ =	shalt  }
0x48: {  	_ =	shalt  }
0x49: {  	_ =	shalt  }
0x4a: {  	_ =	shalt  }
0x4b: {  	_ =	shalt  }
0x4c: {  	_ =	shalt  }
0x4d: {  	_ =	shalt  }
0x4e: {  	_ =	shalt  }
0x4f: {  	_ =	shalt  }
0x50: {  	_ =	shalt  }
0x51: {  	_ =	shalt  }
0x52: {  	_ =	shalt  }
0x53: {  	_ =	shalt  }
0x54: {  	_ =	shalt  }
0x55: {  	_ =	shalt  }
0x56: {  	_ =	shalt  }
0x57: {  	_ =	shalt  }
0x58: {  	_ =	shalt  }
0x59: {  	_ =	shalt  }
0x5a: {  	_ =	shalt  }
0x5b: {  	_ =	shalt  }
0x5c: {  	_ =	shalt  }
0x5d: {  	_ =	shalt  }
0x5e: {  	_ =	shalt  }
0x5f: {  	_ =	shalt  }
0x60: {  	_ =	shalt  }
0x61: {  	_ =	shalt  }
0x62: {  	_ =	shalt  }
0x63: {  	_ =	shalt  }
0x64: {  	_ =	shalt  }
0x65: {  	_ =	shalt  }
0x66: {  	_ =	shalt  }
0x67: {  	_ =	shalt  }
0x68: {  	_ =	shalt  }
0x69: {  	_ =	shalt  }
0x6a: {  	_ =	shalt  }
0x6b: {  	_ =	shalt  }
0x6c: {  	_ =	shalt  }
0x6d: {  	_ =	shalt  }
0x6e: {  	_ =	shalt  }
0x6f: {  	_ =	shalt  }
0x70: {  	_ =	shalt  }
0x71: {  	_ =	shalt  }
0x72: {  	_ =	shalt  }
0x73: {  	_ =	shalt  }
0x74: {  	_ =	shalt  }
0x75: {  	_ =	shalt  }
0x76: {  	_ =	shalt  }
0x77: {  	_ =	shalt  }
0x78: {  	_ =	shalt  }
0x79: {  	_ =	shalt  }
0x7a: {  	_ =	shalt  }
0x7b: {  	_ =	shalt  }
0x7c: {  	_ =	shalt  }
0x7d: {  	_ =	shalt  }
0x7e: {  	_ =	shalt  }
0x7f: {  	_ =	shalt  }
0x80: {  	_ =	shalt  }
0x81: {  	_ =	shalt  }
0x82: {  	_ =	shalt  }
0x83: {  	_ =	shalt  }
0x84: {  	_ =	shalt  }
0x85: {  	_ =	shalt  }
0x86: {  	_ =	shalt  }
0x87: {  	_ =	shalt  }
.Lfunc_end0:
.L_simem_size_0:
called_computation_lowered:
.L_overlay_start_0:
0x88: {  	s2 =	sld [smem:$0x3FD9]  }
0x89: {  	s3 =	sld [smem:$0x3FFE];
	_ =	sdelay $0x1  }
0x8a: {  	s1 =	srdreg.scid  }
0x8b: {  	s0 =	sand.u32 $0x1, s1  }
0x8c: {  	s17 =	sshll.u32 s0, $0xA;
	s2 =	sadd.s32 s3, s2  }
0x8d: {  	s2 =	sadd.s32 s2, s17  }
0x8e: {  	[smem:$0x3FC0] =	sst s2  }
0x8f: {  	_ = 	snop  }
0x90: {  	s2 =	sld [smem:$0x3FC9]  }
0x91: {  	s18 =	sld [smem:$0x3FC8]  }
0x92: {  	s4 =	sld [smem:$0x3FC7]  }
0x93: {  	s5 =	sld [smem:$0x3FC6]  }
0x94: {  	s6 =	sld [smem:$0x3FD0];
	(tm) =	ssettm $0x1  }
0x95: {  	s7 =	sld [smem:$0x3FFB];
	_ =	sdelay $0x3  }
0x96: {  	_ =	strace s7  }
0x97: {  	s7 =	sld [smem:$0x3FFC];
	_ =	sdelay $0x3  }
0x98: {  	_ =	strace s7  }
0x99: {  	s7 =	sld [smem:$0x3FFD];
	_ =	sdelay $0x3  }
0x9a: {  	_ =	strace s7  }
0x9b: {  	_ =	strace $0x8FFFFFFF  }
0x9c: {  	s19 =	sld [smem:$0x3FDB];
	_ =	sdelay $0x1  }
0x9d: {  	s8 =	simm.s32 $_scs_section_size  }
0x9e: {  	s9 =	simm.s32 $_size__tile_overlayer_lowered;
	s10 =	simm.s32 $_tile_overlayer_lowered  }
0x9f: {  	s22 =	simm.s32 $0x1BFF;
	s21 =	sshll.u32 s10, $0x1;
	s7 =	sadd.s32 s8, s19  }
0xa0: {  	s11 =	simm.s32 $0x0;
	s20 =	sshll.u32 s9, $0x1;
	s9 =	sadd.s32 s21, s7  }
0xa1: {  	[timem:s11], [sflag:s22] =	dma.local [hbm:s9], s20  }
0xa2: {  	_ =	swait.ge [sflag:s22], s20  }
0xa3: {  	s8 =	ssub.s32 $0x0, s20;
	[sflag:s22] =	ssyncset.done $0x0  }
0xa4: {  	[sflag:s22] =	ssyncadd.s32 s8;
	_ =	sdelay $0x1  }
0xa5: {  	s23 =	simm.s32 $0x1B8B  }
0xa6: {  	_ =	swait.ge [sflag:s23], $0x1  }
0xa7: {  	[sflag:s23] =	ssyncset.done $0x0  }
0xa8: {  	s25 =	simm.s32 $0x1B8E;
	s24 =	sld [smem:$0x3FFE];
	[sflag:s23] =	ssyncadd.s32 $0xFFFFFFFF  }
0xa9: {  	s26 =	simm.s32 $execute0_lowered;
	[smem:$0x3FD2] =	sst s25  }
0xaa: {  	s9 =	sshll.u32 s26, $0x1;
	_ =	strace $0x80000046;
	[dreg:$0x1] =	wrdreg $0xFFFFFFFF  }
0xab: {  	s28 =	simm.s32 $_size_execute0_lowered;
	s7 =	sadd.s32 s7, s9;
	[dreg:$0x0] =	wrdreg $0x0  }
0xac: {  	s9 =	sshll.u32 s28, $0x1;
	[dreg:$0x2] =	wrdreg s7  }
0xad: {  	[dreg:$0x3] =	wrdreg s9  }
0xae: {  	[dreg:$0x4] =	wrdreg $0xC0  }
0xaf: {  	_ =	task [dreg:s11], $0x5FFFF  }
0xb0: {  	[dreg:$0x1] =	wrdreg $0xFFFFFFFF  }
0xb1: {  	[dreg:$0x0] =	wrdreg $0x60  }
0xb2: {  	[dreg:$0x2] =	wrdreg s2  }
0xb3: {  	[dreg:$0x3] =	wrdreg s18  }
0xb4: {  	[dreg:$0x4] =	wrdreg s4  }
0xb5: {  	[dreg:$0x5] =	wrdreg s5  }
0xb6: {  	[dreg:$0x6] =	wrdreg s24  }
0xb7: {  	[dreg:$0x7] =	wrdreg s6  }
0xb8: {  	[dreg:$0x8] =	wrdreg $0x9  }
0xb9: {  	_ =	task.clear_ibuf [dreg:s11], $0x9FFFF;
	_ =	strace $0x90000046  }
0xba: {  	s29 =	simm.s32 $0x9;
	_ =	strace $0x80000048  }
0xbb: {  	_ =	swait.ge [sflag:s29], $0x1  }
0xbc: {  	[sflag:s29] =	ssyncadd.s32 $0xFFFFFFFF  }
0xbd: {  	_ =	strace $0x90000048  }
0xbe: {  	_ =	sfence  }
0xbf: {  	s30 =	sld [smem:$0x0];
	_ =	sdelay $0x2  }
0xc0: {  	s31 =	sshll.u32 s1, $0xD;
	s1 =	sshrl.u32 s1, $0x2  }
0xc1: {  	s3 =	sand.u32 $0x4000, s31;
	s1 =	sadd.s32 s1, s30  }
0xc2: {  	s0 =	sor.u32 s3, s0;
	s1 =	sshll.u32 s1, $0x11  }
0xc3: {  	s0 =	sor.u32 s1, s0  }
0xc4: {  	s0 =	sadd.s32 $0x8F2B, s0  }
0xc5: {  	[sflag:s0] =	ssyncadd.remote.s32 $0x1  }
0xc6: {  	_ =	sfence.sel $0xFFFF  }
0xc7: {  	[dreg:$0x0] =	wrdreg $0xFFFFFFFF;
	(pc) =	sbr.abs _section_cstart, $3  }
0xc8: {  	[dreg:$0x1] =	wrdreg $0xFFFFFFFF  }
0xc9: {  	_ =	task.clear_ibuf [dreg:s11], $0x2FFFF;
	_ =	strace $0x9FFFFFFF  }
0xca: {  	(tm) =	ssettm $0x7FFFFFFF  }
0xcb: {  	_ =	shalt  }
tec
execute0_lowered:
.L_overlay_start_1:
0x0: {  	(tag) =	ssettag $0x1  }
0x1: {  	s0 =	rddreg [dreg:$0x0]  }
0x2: {  	s2 =	rddreg [dreg:$0x1]  }
0x3: {  	s13 =	rddreg [dreg:$0x2]  }
0x4: {  	s14 =	rddreg [dreg:$0x3]  }
0x5: {  	s6 =	rddreg [dreg:$0x4]  }
0x6: {  	s15 =	rddreg [dreg:$0x5]  }
0x7: {  	s1 =	simm.s32 $0x0;
	s4 =	srdreg.scid;
	s5 =	stileid.u32  }
0x8: {  	s19 =	simm.s32 $0x100;
	s20 =	simm.s32 $0x180;
	s25 =	simm.s32 $0x1  }
0x9: {  	s28 =	simm.s32 $0x2;
	s29 =	simm.s32 $0x1600;
	s30 =	simm.s32 $0x3  }
0xa: {  	s31 =	simm.s32 $0x0;
	[smem:$0x7FF] =	sst s1;
	s3 =	sadd.s32 $0x600, s6  }
0xb: {  	s7 =	sand.u32 $0x1, s4;
	s4 =	sadd.s32 $0x800, s6;
	s9 =	sshll.u32 s5, $0x1  }
0xc: {  	s5 =	sadd.s32 $0x400, s6;
	s6 =	sadd.s32 $0xA00, s6;
	s8 =	ssub.s32 $0x2, s7  }
0xd: {  	v0 =	vlaneseq.u32;
	_ =	strace $0x80000047;
	s9 =	sor.u32 s7, s9;
	s10 =	sshrl.u32 s8, $0x1  }
0xe: {  	v0 =	vmul.u32 $0xC, v0;
	s11 =	sshll.u32 s9, $0x6;
	s16 =	smul.u32 $0x1800, s9;
	s17 =	ssub.s32 s8, s10  }
0xf: {  	s7 =	sadd.s32 s0, s11;
	s8 =	sadd.s32 s2, s11;
	s18 =	sor.u32 $0x20, s11  }
0x10: {  	v1 =	vor.u32 $0x1, v0;
	v2 =	vor.u32 $0x2, v0;
	s9 =	sadd.s32 s13, s11;
	s10 =	sadd.s32 s14, s11;
	s11 =	sadd.s32 s0, s18  }
0x11: {  	v3 =	vor.u32 $0x3, v0;
	v4 =	vadd.s32 $0x4, v0;
	v5 =	vadd.s32 $0x5, v0;
	s12 =	sadd.s32 s2, s18;
	s26 =	sshrl.u32 s16, $0x3;
	s13 =	sadd.s32 s13, s18  }
0x12: {  	v6 =	vadd.s32 $0x6, v0;
	v7 =	vadd.s32 $0x7, v0;
	v8 =	vadd.s32 $0x8, v0;
	s14 =	sadd.s32 s14, s18;
	s17 =	smax.u32 s17, $0x1;
	s15 =	sadd.s32 s15, s26  }
0x13: {  	v9 =	vadd.s32 $0x9, v0;
	v10 =	vadd.s32 $0xA, v0;
	v11 =	vadd.s32 $0xB, v0;
	s18 =	simm.s32 $0x80;
	s26 =	simm.s32 $0xA00;
	s16 =	sadd.s32 $0x180, s15  }
.LBB2_1:
0x14: {  	s0 =	simm.s32 $0x200  }
0x15: {  	[tilespmem:s0], [sflag:$0x1] =	stream.linear.gather [hbm4b:s7+s1], $0x100, $0x38;
	[tilespmem:$0x2200] =	vst v63  }
0x16: {  	s2 =	simm.s32 $0x400  }
0x17: {  	[tilespmem:s2], [sflag:$0x1] =	stream.linear.gather [hbm4b:s8+s1], $0x100, $0x38;
	[tilespmem:$0x2200] =	vst v63  }
0x18: {  	s21 =	simm.s32 $0x600  }
0x19: {  	[tilespmem:s21], [sflag:$0x1] =	stream.linear.gather [hbm4b:s9+s1], $0x100, $0x38;
	[tilespmem:$0x2200] =	vst v63  }
0x1a: {  	s22 =	simm.s32 $0x800  }
0x1b: {  	[tilespmem:s22], [sflag:$0x1] =	stream.linear.gather [hbm4b:s10+s1], $0x100, $0x38;
	[tilespmem:$0x2200] =	vst v63  }
0x1c: {  	_ = 	snop  }
0x1d: {  	[tilespmem:s1], [sflag:$0x1] =	stream.linear.gather [hbm4b:s3+s1], $0x80, $0x38;
	[tilespmem:$0x2200] =	vst v63  }
0x1e: {  	_ = 	snop  }
0x1f: {  	[tilespmem:s18], [sflag:$0x1] =	stream.linear.gather [hbm4b:s4+s1], $0x80, $0x38;
	[tilespmem:$0x2200] =	vst v63  }
0x20: {  	_ = 	snop  }
0x21: {  	[tilespmem:s19], [sflag:$0x1] =	stream.linear.gather [hbm4b:s5+s1], $0x80, $0x38;
	[tilespmem:$0x2200] =	vst v63  }
0x22: {  	_ = 	snop  }
0x23: {  	[tilespmem:s20], [sflag:$0x1] =	stream.linear.gather [hbm4b:s6+s1], $0x80, $0x38;
	[tilespmem:$0x2200] =	vst v63  }
0x24: {  	s23 =	simm.s32 $0x300  }
0x25: {  	[tilespmem:s23], [sflag:$0x2] =	stream.linear.gather [hbm4b:s11+s1], $0x100, $0x38;
	[tilespmem:$0x2200] =	vst v63  }
0x26: {  	s24 =	simm.s32 $0x500  }
0x27: {  	[tilespmem:s24], [sflag:$0x2] =	stream.linear.gather [hbm4b:s12+s1], $0x100, $0x38;
	[tilespmem:$0x2200] =	vst v63  }
0x28: {  	s24 =	simm.s32 $0x700  }
0x29: {  	[tilespmem:s24], [sflag:$0x2] =	stream.linear.gather [hbm4b:s13+s1], $0x100, $0x38;
	[tilespmem:$0x2200] =	vst v63  }
0x2a: {  	s24 =	simm.s32 $0x900  }
0x2b: {  	[tilespmem:s24], [sflag:$0x2] =	stream.linear.gather [hbm4b:s14+s1], $0x100, $0x38;
	[tilespmem:$0x2200] =	vst v63  }
0x2c: {  	_ =	swait.ge [sflag:s25], $0x100  }
0x2d: {  	[sflag:s25] =	ssyncset.done $0x0  }
0x2e: {  	[sflag:s25] =	ssyncadd.s32 $0xFFFFFF00  }
0x2f: {  	_ =	swait.ge [sflag:s25], $0x100  }
0x30: {  	[sflag:s25] =	ssyncset.done $0x0  }
0x31: {  	[sflag:s25] =	ssyncadd.s32 $0xFFFFFF00  }
0x32: {  	_ =	swait.ge [sflag:s25], $0x100  }
0x33: {  	[sflag:s25] =	ssyncset.done $0x0  }
0x34: {  	[sflag:s25] =	ssyncadd.s32 $0xFFFFFF00  }
0x35: {  	_ =	swait.ge [sflag:s25], $0x100  }
0x36: {  	[sflag:s25] =	ssyncset.done $0x0  }
0x37: {  	[sflag:s25] =	ssyncadd.s32 $0xFFFFFF00  }
0x38: {  	_ =	swait.ge [sflag:s25], $0x80  }
0x39: {  	[sflag:s25] =	ssyncset.done $0x0  }
0x3a: {  	[sflag:s25] =	ssyncadd.s32 $0xFFFFFF80  }
0x3b: {  	_ =	swait.ge [sflag:s25], $0x80  }
0x3c: {  	[sflag:s25] =	ssyncset.done $0x0  }
0x3d: {  	[sflag:s25] =	ssyncadd.s32 $0xFFFFFF80  }
0x3e: {  	_ =	swait.ge [sflag:s25], $0x80  }
0x3f: {  	[sflag:s25] =	ssyncset.done $0x0  }
0x40: {  	[sflag:s25] =	ssyncadd.s32 $0xFFFFFF80  }
0x41: {  	_ =	swait.ge [sflag:s25], $0x80  }
0x42: {  	[sflag:s25] =	ssyncset.done $0x0  }
0x43: {  	[sflag:s25] =	ssyncadd.s32 $0xFFFFFF80  }
0x44: {  	v12 =	vld [tilespmem:s0+$0x0];
	_ =	sdelay $0x4  }
0x45: {  	v12 =	vmul.u32 $0x3, v12;
	_ =	sdelay $0x5  }
0x46: {  	v14 =	vadd.s32 s1, v0;
	v13 =	vld.idx.msk [tilespmem:v12+s1+$0x0], $0xffff  }
0x47: {  	v15 =	vadd.s32 $0x1, v12;
	_ =	sdelay $0x1  }
0x48: {  	v16 =	vld [tilespmem:s22+$0x0]  }
0x49: {  	v17 =	vld [tilespmem:s21+$0x0]  }
0x4a: {  	v18 =	vld [tilespmem:s2+$0x0];
	[tilespmem:v14+s26+$0x0] =	vst.idx.msk $0xffff, v13  }
0x4b: {  	v14 =	vadd.s32 s1, v1;
	v13 =	vld.idx.msk [tilespmem:v15+s1+$0x0], $0xffff  }
0x4c: {  	v12 =	vadd.s32 $0x2, v12;
	_ =	sdelay $0x3  }
0x4d: {  	[tilespmem:v14+s26+$0x0] =	vst.idx.msk $0xffff, v13  }
0x4e: {  	v13 =	vadd.s32 s1, v2;
	v14 =	vmul.u32 $0x3, v18;
	v12 =	vld.idx.msk [tilespmem:v12+s1+$0x0], $0xffff;
	_ =	sdelay $0x4  }
0x4f: {  	[tilespmem:v13+s26+$0x0] =	vst.idx.msk $0xffff, v12  }
0x50: {  	v13 =	vadd.s32 s1, v3;
	v12 =	vld.idx.msk [tilespmem:v14+s18+$0x0], $0xffff  }
0x51: {  	v15 =	vadd.s32 $0x1, v14;
	_ =	sdelay $0x3  }
0x52: {  	[tilespmem:v13+s26+$0x0] =	vst.idx.msk $0xffff, v12  }
0x53: {  	v13 =	vadd.s32 s1, v4;
	v12 =	vld.idx.msk [tilespmem:v15+s18+$0x0], $0xffff  }
0x54: {  	v14 =	vadd.s32 $0x2, v14;
	_ =	sdelay $0x3  }
0x55: {  	[tilespmem:v13+s26+$0x0] =	vst.idx.msk $0xffff, v12  }
0x56: {  	v13 =	vadd.s32 s1, v5;
	v12 =	vld.idx.msk [tilespmem:v14+s18+$0x0], $0xffff  }
0x57: {  	v14 =	vshll.u32 v17, $0x1;
	_ =	sdelay $0x3  }
0x58: {  	[tilespmem:v13+s26+$0x0] =	vst.idx.msk $0xffff, v12  }
0x59: {  	v13 =	vadd.s32 s1, v6;
	v12 =	vld.idx.msk [tilespmem:v14+s19+$0x0], $0xffff  }
0x5a: {  	v14 =	vor.u32 $0x1, v14;
	_ =	sdelay $0x3  }
0x5b: {  	[tilespmem:v13+s26+$0x0] =	vst.idx.msk $0xffff, v12  }
0x5c: {  	v13 =	vadd.s32 s1, v7;
	v12 =	vld.idx.msk [tilespmem:v14+s19+$0x0], $0xffff  }
0x5d: {  	v14 =	vshll.u32 v16, $0x2;
	_ =	sdelay $0x3  }
0x5e: {  	[tilespmem:v13+s26+$0x0] =	vst.idx.msk $0xffff, v12  }
0x5f: {  	v13 =	vadd.s32 s1, v8;
	v12 =	vld.idx.msk [tilespmem:v14+s20+$0x0], $0xffff  }
0x60: {  	v15 =	vor.u32 $0x1, v14;
	_ =	sdelay $0x3  }
0x61: {  	[tilespmem:v13+s26+$0x0] =	vst.idx.msk $0xffff, v12  }
0x62: {  	v13 =	vadd.s32 s1, v9;
	v12 =	vld.idx.msk [tilespmem:v15+s20+$0x0], $0xffff  }
0x63: {  	v15 =	vor.u32 $0x2, v14;
	_ =	sdelay $0x3  }
0x64: {  	[tilespmem:v13+s26+$0x0] =	vst.idx.msk $0xffff, v12  }
0x65: {  	v13 =	vadd.s32 s1, v10;
	v12 =	vld.idx.msk [tilespmem:v15+s20+$0x0], $0xffff  }
0x66: {  	v14 =	vor.u32 $0x3, v14;
	_ =	sdelay $0x3  }
0x67: {  	[tilespmem:v13+s26+$0x0] =	vst.idx.msk $0xffff, v12  }
0x68: {  	v13 =	vadd.s32 s1, v11;
	v12 =	vld.idx.msk [tilespmem:v14+s20+$0x0], $0xffff;
	_ =	sdelay $0x3  }
0x69: {  	s23 =	simm.s32 $0x810;
	s22 =	simm.s32 $0xC0  }
.LBB2_2:
0x6a: {  	[tilespmem:v13+s26+$0x0] =	vst.idx.msk $0xffff, v12;
	s0 =	sadd.s32 $0x10, s0;
	s2 =	sadd.s32 $0x10, s2;
	s21 =	sadd.s32 $0x10, s21  }
0x6b: {  	p0 =	sne.s32 s22, $0xB40;
	s24 =	smov.u32 s22;
	s22 =	sadd.s32 $0xC0, s22;
	v12 =	vld [tilespmem:s0+$0x0]  }
0x6c: {  	_ =	sdelay $0x3  }
0x6d: {  	v12 =	vmul.u32 $0x3, v12;
	_ =	sdelay $0x5  }
0x6e: {  	v13 =	vld.idx.msk [tilespmem:v12+s1+$0x0], $0xffff  }
0x6f: {  	v14 =	vadd.s32 s24, v0  }
0x70: {  	v15 =	vadd.s32 $0x1, v12  }
0x71: {  	v16 =	vld [tilespmem:s23+$0x0]  }
0x72: {  	v17 =	vld [tilespmem:s21+$0x0]  }
0x73: {  	v18 =	vld [tilespmem:s2+$0x0]  }
0x74: {  	[tilespmem:v14+s26+$0x0] =	vst.idx.msk $0xffff, v13  }
0x75: {  	v13 =	vld.idx.msk [tilespmem:v15+s1+$0x0], $0xffff  }
0x76: {  	v14 =	vadd.s32 s24, v1  }
0x77: {  	v12 =	vadd.s32 $0x2, v12;
	_ =	sdelay $0x3  }
0x78: {  	[tilespmem:v14+s26+$0x0] =	vst.idx.msk $0xffff, v13  }
0x79: {  	v12 =	vld.idx.msk [tilespmem:v12+s1+$0x0], $0xffff  }
0x7a: {  	v13 =	vadd.s32 s24, v2;
	v14 =	vmul.u32 $0x3, v18;
	_ =	sdelay $0x4  }
0x7b: {  	[tilespmem:v13+s26+$0x0] =	vst.idx.msk $0xffff, v12  }
0x7c: {  	v12 =	vld.idx.msk [tilespmem:v14+s18+$0x0], $0xffff  }
0x7d: {  	v13 =	vadd.s32 s24, v3  }
0x7e: {  	v15 =	vadd.s32 $0x1, v14;
	_ =	sdelay $0x3  }
0x7f: {  	[tilespmem:v13+s26+$0x0] =	vst.idx.msk $0xffff, v12  }
0x80: {  	v12 =	vld.idx.msk [tilespmem:v15+s18+$0x0], $0xffff  }
0x81: {  	v13 =	vadd.s32 s24, v4  }
0x82: {  	v14 =	vadd.s32 $0x2, v14;
	_ =	sdelay $0x3  }
0x83: {  	[tilespmem:v13+s26+$0x0] =	vst.idx.msk $0xffff, v12  }
0x84: {  	v12 =	vld.idx.msk [tilespmem:v14+s18+$0x0], $0xffff  }
0x85: {  	v13 =	vadd.s32 s24, v5  }
0x86: {  	v14 =	vshll.u32 v17, $0x1;
	_ =	sdelay $0x3  }
0x87: {  	[tilespmem:v13+s26+$0x0] =	vst.idx.msk $0xffff, v12  }
0x88: {  	v12 =	vld.idx.msk [tilespmem:v14+s19+$0x0], $0xffff  }
0x89: {  	v13 =	vadd.s32 s24, v6  }
0x8a: {  	v14 =	vor.u32 $0x1, v14;
	_ =	sdelay $0x3  }
0x8b: {  	[tilespmem:v13+s26+$0x0] =	vst.idx.msk $0xffff, v12  }
0x8c: {  	v12 =	vld.idx.msk [tilespmem:v14+s19+$0x0], $0xffff  }
0x8d: {  	v13 =	vadd.s32 s24, v7  }
0x8e: {  	v14 =	vshll.u32 v16, $0x2;
	_ =	sdelay $0x3  }
0x8f: {  	[tilespmem:v13+s26+$0x0] =	vst.idx.msk $0xffff, v12  }
0x90: {  	v12 =	vld.idx.msk [tilespmem:v14+s20+$0x0], $0xffff  }
0x91: {  	v13 =	vadd.s32 s24, v8  }
0x92: {  	v15 =	vor.u32 $0x1, v14;
	_ =	sdelay $0x3  }
0x93: {  	[tilespmem:v13+s26+$0x0] =	vst.idx.msk $0xffff, v12  }
0x94: {  	v12 =	vld.idx.msk [tilespmem:v15+s20+$0x0], $0xffff  }
0x95: {  	v13 =	vadd.s32 s24, v9  }
0x96: {  	v15 =	vor.u32 $0x2, v14;
	_ =	sdelay $0x3  }
0x97: {  	[tilespmem:v13+s26+$0x0] =	vst.idx.msk $0xffff, v12  }
0x98: {  	v12 =	vld.idx.msk [tilespmem:v15+s20+$0x0], $0xffff  }
0x99: {  	v13 =	vadd.s32 s24, v10  }
0x9a: {  	v14 =	vor.u32 $0x3, v14;
	_ =	sdelay $0x3  }
0x9b: {  	[tilespmem:v13+s26+$0x0] =	vst.idx.msk $0xffff, v12  }
0x9c: {  	v12 =	vld.idx.msk [tilespmem:v14+s20+$0x0], $0xffff  }
.Ltmp0:
0x9d: {  	v13 =	vadd.s32 s24, v11;
	(pc) =	sbr.rel @p0 .LBB2_2-.Ltmp0, $2  }
0x9e: {  	_ =	sdelay $0x2  }
0x9f: {  	s23 =	sadd.s32 $0x10, s23  }
0xa0: {  	_ =	sdelay $0x3  }
0xa1: {  	[tilespmem:v13+s26+$0x0] =	vst.idx.msk $0xffff, v12  }
0xa2: {  	[hbm4b:s15+s1] =	stream.linear.scatter [tilespmem:s26], [sflag:$0x3], $0xC00, $0x38;
	[tilespmem:$0x2200] =	vst v63  }
0xa3: {  	_ =	swait.ge [sflag:s28], $0x100  }
0xa4: {  	[sflag:s28] =	ssyncset.done $0x0  }
0xa5: {  	[sflag:s28] =	ssyncadd.s32 $0xFFFFFF00  }
0xa6: {  	_ =	swait.ge [sflag:s28], $0x100  }
0xa7: {  	[sflag:s28] =	ssyncset.done $0x0  }
0xa8: {  	[sflag:s28] =	ssyncadd.s32 $0xFFFFFF00  }
0xa9: {  	_ =	swait.ge [sflag:s28], $0x100  }
0xaa: {  	[sflag:s28] =	ssyncset.done $0x0  }
0xab: {  	[sflag:s28] =	ssyncadd.s32 $0xFFFFFF00  }
0xac: {  	_ =	swait.ge [sflag:s28], $0x100  }
0xad: {  	[sflag:s28] =	ssyncset.done $0x0  }
0xae: {  	s0 =	simm.s32 $0x300;
	[sflag:s28] =	ssyncadd.s32 $0xFFFFFF00  }
0xaf: {  	v12 =	vld [tilespmem:s0+$0x0];
	_ =	sdelay $0x4  }
0xb0: {  	v12 =	vmul.u32 $0x3, v12;
	_ =	sdelay $0x4  }
0xb1: {  	s23 =	simm.s32 $0xC00  }
0xb2: {  	v14 =	vadd.s32 s23, v0;
	v13 =	vld.idx.msk [tilespmem:v12+s1+$0x0], $0xffff  }
0xb3: {  	v15 =	vadd.s32 $0x1, v12  }
0xb4: {  	s21 =	simm.s32 $0x900  }
0xb5: {  	s2 =	simm.s32 $0x700;
	v16 =	vld [tilespmem:s21+$0x0]  }
0xb6: {  	s21 =	simm.s32 $0x500;
	v17 =	vld [tilespmem:s2+$0x0]  }
0xb7: {  	v18 =	vld [tilespmem:s21+$0x0];
	[tilespmem:v14+s26+$0x0] =	vst.idx.msk $0xffff, v13  }
0xb8: {  	v14 =	vadd.s32 s23, v1;
	v13 =	vld.idx.msk [tilespmem:v15+s1+$0x0], $0xffff  }
0xb9: {  	v12 =	vadd.s32 $0x2, v12;
	_ =	sdelay $0x3  }
0xba: {  	[tilespmem:v14+s26+$0x0] =	vst.idx.msk $0xffff, v13  }
0xbb: {  	v13 =	vadd.s32 s23, v2;
	v14 =	vmul.u32 $0x3, v18;
	v12 =	vld.idx.msk [tilespmem:v12+s1+$0x0], $0xffff;
	_ =	sdelay $0x4  }
0xbc: {  	[tilespmem:v13+s26+$0x0] =	vst.idx.msk $0xffff, v12  }
0xbd: {  	v13 =	vadd.s32 s23, v3;
	v12 =	vld.idx.msk [tilespmem:v14+s18+$0x0], $0xffff  }
0xbe: {  	v15 =	vadd.s32 $0x1, v14;
	_ =	sdelay $0x3  }
0xbf: {  	[tilespmem:v13+s26+$0x0] =	vst.idx.msk $0xffff, v12  }
0xc0: {  	v13 =	vadd.s32 s23, v4;
	v12 =	vld.idx.msk [tilespmem:v15+s18+$0x0], $0xffff  }
0xc1: {  	v14 =	vadd.s32 $0x2, v14;
	_ =	sdelay $0x3  }
0xc2: {  	[tilespmem:v13+s26+$0x0] =	vst.idx.msk $0xffff, v12  }
0xc3: {  	v13 =	vadd.s32 s23, v5;
	v12 =	vld.idx.msk [tilespmem:v14+s18+$0x0], $0xffff  }
0xc4: {  	v14 =	vshll.u32 v17, $0x1;
	_ =	sdelay $0x3  }
0xc5: {  	[tilespmem:v13+s26+$0x0] =	vst.idx.msk $0xffff, v12  }
0xc6: {  	v13 =	vadd.s32 s23, v6;
	v12 =	vld.idx.msk [tilespmem:v14+s19+$0x0], $0xffff  }
0xc7: {  	v14 =	vor.u32 $0x1, v14;
	_ =	sdelay $0x3  }
0xc8: {  	[tilespmem:v13+s26+$0x0] =	vst.idx.msk $0xffff, v12  }
0xc9: {  	v13 =	vadd.s32 s23, v7;
	v12 =	vld.idx.msk [tilespmem:v14+s19+$0x0], $0xffff  }
0xca: {  	v14 =	vshll.u32 v16, $0x2;
	_ =	sdelay $0x3  }
0xcb: {  	[tilespmem:v13+s26+$0x0] =	vst.idx.msk $0xffff, v12  }
0xcc: {  	v13 =	vadd.s32 s23, v8;
	v12 =	vld.idx.msk [tilespmem:v14+s20+$0x0], $0xffff  }
0xcd: {  	v15 =	vor.u32 $0x1, v14;
	_ =	sdelay $0x3  }
0xce: {  	[tilespmem:v13+s26+$0x0] =	vst.idx.msk $0xffff, v12  }
0xcf: {  	v13 =	vadd.s32 s23, v9;
	v12 =	vld.idx.msk [tilespmem:v15+s20+$0x0], $0xffff  }
0xd0: {  	v15 =	vor.u32 $0x2, v14;
	_ =	sdelay $0x3  }
0xd1: {  	[tilespmem:v13+s26+$0x0] =	vst.idx.msk $0xffff, v12  }
0xd2: {  	v13 =	vadd.s32 s23, v10;
	v12 =	vld.idx.msk [tilespmem:v15+s20+$0x0], $0xffff  }
0xd3: {  	v14 =	vor.u32 $0x3, v14;
	_ =	sdelay $0x3  }
0xd4: {  	[tilespmem:v13+s26+$0x0] =	vst.idx.msk $0xffff, v12  }
0xd5: {  	v13 =	vadd.s32 s23, v11;
	v12 =	vld.idx.msk [tilespmem:v14+s20+$0x0], $0xffff;
	_ =	sdelay $0x3  }
0xd6: {  	s22 =	simm.s32 $0xCC0;
	s23 =	simm.s32 $0x910  }
.LBB2_4:
0xd7: {  	[tilespmem:v13+s26+$0x0] =	vst.idx.msk $0xffff, v12;
	s0 =	sadd.s32 $0x10, s0;
	s21 =	sadd.s32 $0x10, s21;
	s2 =	sadd.s32 $0x10, s2  }
0xd8: {  	p0 =	sne.s32 s22, $0x1740;
	s24 =	smov.u32 s22;
	s22 =	sadd.s32 $0xC0, s22;
	v12 =	vld [tilespmem:s0+$0x0]  }
0xd9: {  	_ =	sdelay $0x3  }
0xda: {  	v12 =	vmul.u32 $0x3, v12;
	_ =	sdelay $0x5  }
0xdb: {  	v13 =	vld.idx.msk [tilespmem:v12+s1+$0x0], $0xffff  }
0xdc: {  	v14 =	vadd.s32 s24, v0  }
0xdd: {  	v15 =	vadd.s32 $0x1, v12  }
0xde: {  	v16 =	vld [tilespmem:s23+$0x0]  }
0xdf: {  	v17 =	vld [tilespmem:s2+$0x0]  }
0xe0: {  	v18 =	vld [tilespmem:s21+$0x0]  }
0xe1: {  	[tilespmem:v14+s26+$0x0] =	vst.idx.msk $0xffff, v13  }
0xe2: {  	v13 =	vld.idx.msk [tilespmem:v15+s1+$0x0], $0xffff  }
0xe3: {  	v14 =	vadd.s32 s24, v1  }
0xe4: {  	v12 =	vadd.s32 $0x2, v12;
	_ =	sdelay $0x3  }
0xe5: {  	[tilespmem:v14+s26+$0x0] =	vst.idx.msk $0xffff, v13  }
0xe6: {  	v12 =	vld.idx.msk [tilespmem:v12+s1+$0x0], $0xffff  }
0xe7: {  	v13 =	vadd.s32 s24, v2;
	v14 =	vmul.u32 $0x3, v18;
	_ =	sdelay $0x4  }
0xe8: {  	[tilespmem:v13+s26+$0x0] =	vst.idx.msk $0xffff, v12  }
0xe9: {  	v12 =	vld.idx.msk [tilespmem:v14+s18+$0x0], $0xffff  }
0xea: {  	v13 =	vadd.s32 s24, v3  }
0xeb: {  	v15 =	vadd.s32 $0x1, v14;
	_ =	sdelay $0x3  }
0xec: {  	[tilespmem:v13+s26+$0x0] =	vst.idx.msk $0xffff, v12  }
0xed: {  	v12 =	vld.idx.msk [tilespmem:v15+s18+$0x0], $0xffff  }
0xee: {  	v13 =	vadd.s32 s24, v4  }
0xef: {  	v14 =	vadd.s32 $0x2, v14;
	_ =	sdelay $0x3  }
0xf0: {  	[tilespmem:v13+s26+$0x0] =	vst.idx.msk $0xffff, v12  }
0xf1: {  	v12 =	vld.idx.msk [tilespmem:v14+s18+$0x0], $0xffff  }
0xf2: {  	v13 =	vadd.s32 s24, v5  }
0xf3: {  	v14 =	vshll.u32 v17, $0x1;
	_ =	sdelay $0x3  }
0xf4: {  	[tilespmem:v13+s26+$0x0] =	vst.idx.msk $0xffff, v12  }
0xf5: {  	v12 =	vld.idx.msk [tilespmem:v14+s19+$0x0], $0xffff  }
0xf6: {  	v13 =	vadd.s32 s24, v6  }
0xf7: {  	v14 =	vor.u32 $0x1, v14;
	_ =	sdelay $0x3  }
0xf8: {  	[tilespmem:v13+s26+$0x0] =	vst.idx.msk $0xffff, v12  }
0xf9: {  	v12 =	vld.idx.msk [tilespmem:v14+s19+$0x0], $0xffff  }
0xfa: {  	v13 =	vadd.s32 s24, v7  }
0xfb: {  	v14 =	vshll.u32 v16, $0x2;
	_ =	sdelay $0x3  }
0xfc: {  	[tilespmem:v13+s26+$0x0] =	vst.idx.msk $0xffff, v12  }
0xfd: {  	v12 =	vld.idx.msk [tilespmem:v14+s20+$0x0], $0xffff  }
0xfe: {  	v13 =	vadd.s32 s24, v8  }
0xff: {  	v15 =	vor.u32 $0x1, v14;
	_ =	sdelay $0x3  }
0x100: {  	[tilespmem:v13+s26+$0x0] =	vst.idx.msk $0xffff, v12  }
0x101: {  	v12 =	vld.idx.msk [tilespmem:v15+s20+$0x0], $0xffff  }
0x102: {  	v13 =	vadd.s32 s24, v9  }
0x103: {  	v15 =	vor.u32 $0x2, v14;
	_ =	sdelay $0x3  }
0x104: {  	[tilespmem:v13+s26+$0x0] =	vst.idx.msk $0xffff, v12  }
0x105: {  	v12 =	vld.idx.msk [tilespmem:v15+s20+$0x0], $0xffff  }
0x106: {  	v13 =	vadd.s32 s24, v10  }
0x107: {  	v14 =	vor.u32 $0x3, v14;
	_ =	sdelay $0x3  }
0x108: {  	[tilespmem:v13+s26+$0x0] =	vst.idx.msk $0xffff, v12  }
0x109: {  	v12 =	vld.idx.msk [tilespmem:v14+s20+$0x0], $0xffff  }
.Ltmp1:
0x10a: {  	v13 =	vadd.s32 s24, v11;
	(pc) =	sbr.rel @p0 .LBB2_4-.Ltmp1, $2  }
0x10b: {  	_ =	sdelay $0x2  }
0x10c: {  	s23 =	sadd.s32 $0x10, s23  }
0x10d: {  	_ =	sdelay $0x3  }
0x10e: {  	[tilespmem:v13+s26+$0x0] =	vst.idx.msk $0xffff, v12;
	s31 =	sadd.s32 $0x1, s31  }
0x10f: {  	[hbm4b:s16+s1] =	stream.linear.scatter [tilespmem:s29], [sflag:$0x3], $0xC00, $0x38;
	[tilespmem:$0x2200] =	vst v63  }
0x110: {  	p0 =	sne.s32 s31, s17;
	_ =	swait.ge [sflag:s30], $0xC00  }
.Ltmp2:
0x111: {  	[sflag:s30] =	ssyncset.done $0x0;
	(pc) =	sbr.rel @p0 .LBB2_1-.Ltmp2, $4  }
0x112: {  	[sflag:s30] =	ssyncadd.s32 $0xFFFFF400  }
0x113: {  	_ =	swait.ge [sflag:s30], $0xC00  }
0x114: {  	[sflag:s30] =	ssyncset.done $0x0  }
0x115: {  	[sflag:s30] =	ssyncadd.s32 $0xFFFFF400  }
0x116: {  	_ =	sfence.sel $0x180000  }
0x117: {  	[bflag:$0x0] =	sbarrier.arrive $0xFFFF  }
0x118: {  	_ =	strace $0x90000047  }
0x119: {  	s0 =	stileid.u32;
	[bflag:$0x2] =	sbarrier.arrive $0xFFFF  }
0x11a: {  	p0 =	sne.s32 s0, $0x0;
	s0 =	rddreg [dreg:$0x6]  }
0x11b: {  	s0 =	sadd.s32 @!p0 $0x100000, s0  }
0x11c: {  	[sflag:s0] =	ssyncadd.tile.s32 @!p0 $0x1;
	_ =	shalt  }
.Lfunc_end2:
_tile_overlayer_lowered:
.L_overlay_start_2:
0x11d: {  	(tag) =	ssettag $0x2  }
0x11e: {  	s0 =	rddreg [dreg:$0x0];
	s2 =	stileid.u32  }
0x11f: {  	s1 =	rddreg [dreg:$0x1];
	p0 =	sne.s32 s2, $0x0  }
0x120: {  	s3 =	rddreg [dreg:$0x2];
	[bflag:$0x3] =	sbarrier.arrive $0xFFFF;
	s2 =	simm.s32 @!p0 $0x1C04  }
0x121: {  	[timem:s3], [sflag:s2] =	dma.local @!p0 [hbm:s0], s1  }
0x122: {  	s0 =	simm.s32 @!p0 $0x4  }
0x123: {  	_ =	swait.ge @!p0 [sflag:s0], s1  }
0x124: {  	s1 =	ssub.s32 @!p0 $0x0, s1;
	[sflag:s0] =	ssyncset.done @!p0 $0x0  }
0x125: {  	[sflag:s0] =	ssyncadd.s32 @!p0 s1  }
0x126: {  	[bflag:$0x3] =	sbarrier.arrive $0xFFFF  }
0x127: {  	_ =	shalt  }

</sc_bundles>
